<compile_context>
chip_gen: v7x
topology: tpu7x:2x2x1
jax: 0.10.2.dev20260603
libtpu: 0.0.44.dev20260713+nightly
codegen_flags: <defaults>
</compile_context>

<pallas_src>
import functools

import jax
import jax.numpy as jnp
from jax import lax
from jax.experimental import pallas as pl
from jax.experimental.pallas import tpu as pltpu
from jax.experimental.pallas import tpu_sc as plsc

N = 10000
NP = 10240
D = 128
E = 320000
T = 1024
EPS = 1e-5

NC = 2
NS = 16
NW = NC * NS
K = 128
NB2 = 158
EP = NS * NB2 * K
RPT = NP // NW
XROWS = 8

SPLIT = 5120
ACC_R = 5136
WR = SPLIT // NS
ZR = ACC_R // NS

BR = 512
GRID = NP // BR


def _mesh():
    return plsc.VectorSubcoreMesh(core_axis_name="c", subcore_axis_name="s")



def _sc_prep(x3, emb):

    @functools.partial(
        pl.kernel,
        out_type=jax.ShapeDtypeStruct((NP, D), jnp.float32),
        mesh=_mesh(),
        scratch_types=[
            pltpu.VMEM((XROWS, K), jnp.int32),
            pltpu.VMEM((K, D), jnp.float32),
            pltpu.SemaphoreType.DMA,
        ],
    )
    def prep(x_hbm, emb_hbm, h0_hbm, xb, eb, sem):
        c = lax.axis_index("c")
        s = lax.axis_index("s")
        wid = c * NS + s
        pltpu.sync_copy(x_hbm.at[wid], xb)
        for r, nr in ((0, K), (1, K), (2, RPT - 2 * K)):
            pltpu.async_copy(emb_hbm.at[xb.at[r]], eb, sem).wait()
            pltpu.sync_copy(eb.at[pl.ds(0, nr)],
                            h0_hbm.at[pl.ds(wid * RPT + r * K, nr)])

    return prep(x3, emb)


def _make_sc_agg():
    @functools.partial(
        pl.kernel,
        out_type=jax.ShapeDtypeStruct((NP, D), jnp.float32),
        mesh=_mesh(),
        scratch_types=[
            pltpu.VMEM((NB2, K), jnp.int32),
            pltpu.VMEM((NB2, K), jnp.int32),
            pltpu.VMEM((K,), jnp.int32),
            pltpu.VMEM((K, D), jnp.float32),
            pltpu.VMEM((K, D), jnp.float32),
            pltpu.VMEM_SHARED((ACC_R, D), jnp.float32),
            pltpu.SemaphoreType.DMA,
            pltpu.SemaphoreType.DMA,
        ],
    )
    def agg(g_hbm, src_hbm, dst_hbm, out_hbm, srcb, dstb, dstloc, rows0,
            ob, acc, sem0, sem1):
        rows1 = ob
        c = lax.axis_index("c")
        s = lax.axis_index("s")
        lob = c * SPLIT
        hib = SPLIT + c * (2 ** 24 - SPLIT)
        zv = jnp.zeros((16,), jnp.float32)

        def zrow(j, carry):
            for k in range(D // 16):
                ob[j, pl.ds(k * 16, 16)] = zv
            return carry

        lax.fori_loop(0, K, zrow, 0)
        for off, sz in ((0, K), (K, K), (2 * K, ZR - 2 * K)):
            pltpu.sync_copy(ob.at[pl.ds(0, sz)],
                            acc.at[pl.ds(s * ZR + off, sz)])
        plsc.subcore_barrier()

        pltpu.sync_copy(src_hbm.at[s], srcb)
        pltpu.sync_copy(dst_hbm.at[s], dstb)

        def start(b, rows, sem):
            pltpu.async_copy(g_hbm.at[srcb.at[b]], rows, sem)

        def scat(b, rows, sem):
            pltpu.make_async_copy(g_hbm.at[srcb.at[b]], rows, sem).wait()
            for k in range(K // 16):
                dv = dstb[b, pl.ds(k * 16, 16)]
                own = (dv >= lob) & (dv < hib)
                dstloc[pl.ds(k * 16, 16)] = jnp.where(own, dv - lob, SPLIT)
            pltpu.sync_copy(rows, acc.at[dstloc], add=True)

        start(0, rows0, sem0)

        def body(b2, carry):
            b = 2 * b2
            start(b + 1, rows1, sem1)
            scat(b, rows0, sem0)

            @pl.when(b2 < NB2 // 2 - 1)
            def _():
                start(b + 2, rows0, sem0)

            scat(b + 1, rows1, sem1)
            return carry

        lax.fori_loop(0, NB2 // 2, body, 0)
        plsc.subcore_barrier()

        for off, sz in ((0, K), (K, K), (2 * K, WR - 2 * K)):
            pltpu.sync_copy(acc.at[pl.ds(s * WR + off, sz)],
                            ob.at[pl.ds(0, sz)])
            pltpu.sync_copy(ob.at[pl.ds(0, sz)],
                            out_hbm.at[pl.ds(c * SPLIT + s * WR + off, sz)])

    return agg


_sc_agg = _make_sc_agg()


def _sc_tgt(h4, tgt3):
    tw = T // NW

    @functools.partial(
        pl.kernel,
        out_type=jax.ShapeDtypeStruct((T, D), jnp.float32),
        mesh=_mesh(),
        scratch_types=[
            pltpu.VMEM((1, tw), jnp.int32),
            pltpu.VMEM((tw, D), jnp.float32),
            pltpu.SemaphoreType.DMA,
        ],
    )
    def tg(h_hbm, t_hbm, out_hbm, tb, rb, sem):
        c = lax.axis_index("c")
        s = lax.axis_index("s")
        wid = c * NS + s
        pltpu.sync_copy(t_hbm.at[wid], tb)
        pltpu.async_copy(h_hbm.at[tb.at[0]], rb, sem).wait()
        pltpu.sync_copy(rb, out_hbm.at[pl.ds(wid * tw, tw)])

    return tg(h4, tgt3)



def _tc_layer(a, ghat, degd, h0, flag, wn, cb, cg, cbeta):

    def body(a_ref, g_ref, dg_ref, h0_ref, f_ref, w_ref, cb_ref, cg_ref,
             cbe_ref, gn_ref, h_ref):
        dinv = lax.rsqrt(dg_ref[...] + 1.0)
        z = jnp.dot((a_ref[...] + g_ref[...]) * dinv, w_ref[...],
                    preferred_element_type=jnp.float32) + cb_ref[...]
        m = jnp.mean(z, axis=-1, keepdims=True)
        xc = z - m
        v = jnp.mean(xc * xc, axis=-1, keepdims=True)
        hh = jnp.maximum(xc * lax.rsqrt(v + EPS) * cg_ref[...] + cbe_ref[...],
                         0.0)
        h = jnp.where(f_ref[0, 0] > 0.0, h0_ref[...], hh)
        h_ref[...] = h
        gn_ref[...] = h * dinv

    return pl.pallas_call(
        body,
        grid=(GRID,),
        in_specs=[
            pl.BlockSpec((BR, D), lambda i: (i, 0)),
            pl.BlockSpec((BR, D), lambda i: (i, 0)),
            pl.BlockSpec((BR, 1), lambda i: (i, 0)),
            pl.BlockSpec((BR, D), lambda i: (i, 0)),
            pl.BlockSpec((1, 1), lambda i: (0, 0)),
            pl.BlockSpec((D, D), lambda i: (0, 0)),
            pl.BlockSpec((1, D), lambda i: (0, 0)),
            pl.BlockSpec((1, D), lambda i: (0, 0)),
            pl.BlockSpec((1, D), lambda i: (0, 0)),
        ],
        out_specs=(pl.BlockSpec((BR, D), lambda i: (i, 0)),
                   pl.BlockSpec((BR, D), lambda i: (i, 0))),
        out_shape=(jax.ShapeDtypeStruct((NP, D), jnp.float32),
                   jax.ShapeDtypeStruct((NP, D), jnp.float32)),
    )(a, ghat, degd, h0, flag, wn, cb, cg, cbeta)


def _tc_head(ht, lw, lb, lg, lbe, ow, obias):
    def body(h_ref, lw_ref, lb_ref, lg_ref, lbe_ref, ow_ref, ob_ref, o_ref):
        h = h_ref[...]
        for j in range(2):
            z = jnp.dot(h, lw_ref[j], preferred_element_type=jnp.float32) \
                + lb_ref[j]
            m = jnp.mean(z, axis=-1, keepdims=True)
            xc = z - m
            v = jnp.mean(xc * xc, axis=-1, keepdims=True)
            h = jnp.maximum(xc * lax.rsqrt(v + EPS) * lg_ref[j] + lbe_ref[j],
                            0.0)
        o_ref[...] = jnp.dot(h, ow_ref[...],
                             preferred_element_type=jnp.float32) + ob_ref[0, 0]

    return pl.pallas_call(
        body,
        grid=(1,),
        in_specs=[
            pl.BlockSpec((T, D), lambda i: (0, 0)),
            pl.BlockSpec((2, D, D), lambda i: (0, 0, 0)),
            pl.BlockSpec((2, 1, D), lambda i: (0, 0, 0)),
            pl.BlockSpec((2, 1, D), lambda i: (0, 0, 0)),
            pl.BlockSpec((2, 1, D), lambda i: (0, 0, 0)),
            pl.BlockSpec((D, D), lambda i: (0, 0)),
            pl.BlockSpec((1, 1), lambda i: (0, 0)),
        ],
        out_specs=pl.BlockSpec((T, D), lambda i: (0, 0)),
        out_shape=jax.ShapeDtypeStruct((T, D), jnp.float32),
    )(ht, lw, lb, lg, lbe, ow, obias)



def kernel(x, edge_index, edge_list, target_indices, emb, conv_W, conv_b,
           conv_g, conv_beta, lin_W, lin_b, lin_g, lin_beta, out_W, out_b):
    xi = x.ravel().astype(jnp.int32)
    xpad = jnp.concatenate([xi, jnp.zeros((NP - N,), jnp.int32)])
    x3 = jnp.pad(xpad.reshape(NW, RPT), ((0, 0), (0, XROWS * K - RPT))) \
        .reshape(NW, XROWS, K)
    edges = edge_list[0].astype(jnp.int32)
    src2 = jnp.concatenate(
        [edges[0], jnp.zeros((EP - E,), jnp.int32)]).reshape(NS, NB2, K)
    dst2 = jnp.concatenate(
        [edges[1], jnp.full((EP - E,), N, jnp.int32)]).reshape(NS, NB2, K)
    tgt3 = target_indices.ravel().astype(jnp.int32).reshape(NW, 1, T // NW)

    h0 = _sc_prep(x3, emb)

    idx = jnp.array([0, 0, 1, 2, 3], jnp.int32)
    w5 = conv_W[idx]
    cb5 = conv_b[idx].reshape(5, 1, D)
    cg5 = conv_g[idx].reshape(5, 1, D)
    cbe5 = conv_beta[idx].reshape(5, 1, D)
    flag5 = jnp.array([1.0, 0.0, 0.0, 0.0, 0.0],
                      jnp.float32).reshape(5, 1, 1)

    def step(carry, xs):
        ghat, h, degd = carry
        fl, wn, cb, cg, cbe = xs
        a = _sc_agg(ghat, src2, dst2)
        degd = jnp.where(fl[0, 0] > 0.0, a[:, 0:1], degd)
        gn, hn = _tc_layer(a, ghat, degd, h0, fl, wn, cb, cg, cbe)
        return (gn, hn, degd), None

    init = (jnp.ones((NP, D), jnp.float32), h0, jnp.zeros((NP, 1),
                                                          jnp.float32))
    (_, h4, _), _ = lax.scan(step, init, (flag5, w5, cb5, cg5, cbe5))
    ht = _sc_tgt(h4, tgt3)
    out = _tc_head(ht, lin_W, lin_b.reshape(2, 1, D), lin_g.reshape(2, 1, D),
                   lin_beta.reshape(2, 1, D),
                   jnp.pad(out_W, ((0, 0), (0, D - 1))), out_b.reshape(1, 1))
    return out[:, :1]

# --- scband reference (transcript-rebuilt; emitter-appended) ---
"""Pipeline reference for scband-gnn-classification-70274254897606 (READ-ONLY COPY).

The authoritative reference and input builder live on the scoring server;
editing this copy changes nothing except your own understanding.
"""

import jax, jax.numpy as jnp
import numpy as np

N = 10000; E = 320000; D = 128; V = 1000
NUM_GNN = 4; NUM_LIN = 2; T = 1024
EPS = 1e-5

def _ln(x, g, b):
    m = jnp.mean(x, axis=-1, keepdims=True)
    v = jnp.var(x, axis=-1, keepdims=True)
    return (x - m) / jnp.sqrt(v + EPS) * g + b

def setup_inputs(seed: int = 0):
    key = jax.random.key(seed)
    ks = jax.random.split(key, 20)
    s = 1.0 / np.sqrt(D)
    inp = {}
    inp['x'] = jax.random.randint(ks[0], (N, 1), 0, V)
    inp['edge_index'] = jax.random.randint(ks[1], (2, E), 0, N)
    inp['edge_list'] = jax.random.randint(ks[2], (1, 2, E), 0, N)
    inp['target_indices'] = jax.random.randint(ks[3], (T,), 0, N)
    inp['emb'] = jax.random.normal(ks[4], (V, D), jnp.float32)
    inp['conv_W'] = jax.random.normal(ks[5], (NUM_GNN, D, D), jnp.float32) * s
    inp['conv_b'] = jnp.zeros((NUM_GNN, D), jnp.float32)
    inp['conv_g'] = jnp.ones((NUM_GNN, D), jnp.float32)
    inp['conv_beta'] = jnp.zeros((NUM_GNN, D), jnp.float32)
    inp['lin_W'] = jax.random.normal(ks[6], (NUM_LIN, D, D), jnp.float32) * s
    inp['lin_b'] = jnp.zeros((NUM_LIN, D), jnp.float32)
    inp['lin_g'] = jnp.ones((NUM_LIN, D), jnp.float32)
    inp['lin_beta'] = jnp.zeros((NUM_LIN, D), jnp.float32)
    inp['out_W'] = jax.random.normal(ks[7], (D, 1), jnp.float32) * s
    inp['out_b'] = jnp.zeros((1,), jnp.float32)
    return inp

def reference(x, edge_index, edge_list, target_indices, emb, conv_W, conv_b, conv_g, conv_beta, lin_W, lin_b, lin_g, lin_beta, out_W, out_b):
    # edge_list[0] corresponds to edge_arity_dict key 'binaryEdge'
    edges = edge_list[0]
    loop = jnp.arange(N, dtype=edges.dtype)
    src = jnp.concatenate([edges[0], loop])
    dst = jnp.concatenate([edges[1], loop])
    deg = jnp.zeros((N,), jnp.float32).at[dst].add(1.0)
    dinv = jnp.where(deg > 0, deg ** -0.5, 0.0)
    norm = dinv[src] * dinv[dst]
    # feature_size == 1 path: ravel + embedding lookup
    h = jnp.take(emb, x.ravel(), axis=0)
    for i in range(NUM_GNN):
        hw = h @ conv_W[i]
        msg = jnp.take(hw, src, axis=0) * norm[:, None]
        h = jnp.zeros((N, D), jnp.float32).at[dst].add(msg) + conv_b[i]
        h = _ln(h, conv_g[i], conv_beta[i])
        h = jax.nn.relu(h)
        # dropout is identity (p=0, eval mode)
    h = jnp.take(h, target_indices.ravel(), axis=0)
    for i in range(NUM_LIN):
        h = _ln(h @ lin_W[i] + lin_b[i], lin_g[i], lin_beta[i])
        h = jax.nn.relu(h)
    return h @ out_W + out_b

if __name__ == "__main__":
    import jax
    _d = setup_inputs()
    print(jax.jit(kernel)(*tuple(_d.values())))

</pallas_src>

<mosaic_0001>
#map = affine_map<(d0, d1) -> (0, 0)>
#map1 = affine_map<(d0, d1) -> (0, 0, 0)>
module attributes {stable_mosaic.version = 14 : i64} {
  func.func @agg(%arg0: i32, %arg1: i32, %arg2: memref<10240x128xf32, #tpu.memory_space<hbm>>, %arg3: memref<16x158x128xi32, #tpu.memory_space<hbm>>, %arg4: memref<16x158x128xi32, #tpu.memory_space<hbm>>, %arg5: memref<10240x128xf32, #tpu.memory_space<hbm>>, %arg6: memref<158x128xi32, #tpu.memory_space<vmem>>, %arg7: memref<158x128xi32, #tpu.memory_space<vmem>>, %arg8: memref<128xi32, #tpu.memory_space<vmem>>, %arg9: memref<128x128xf32, #tpu.memory_space<vmem>>, %arg10: memref<128x128xf32, #tpu.memory_space<vmem>>, %arg11: memref<5136x128xf32, #tpu.memory_space<vmem_shared>>, %arg12: memref<!tpu.dma_semaphore, #tpu.memory_space<semaphore_mem>>, %arg13: memref<!tpu.dma_semaphore, #tpu.memory_space<semaphore_mem>>) attributes {dimension_semantics = [#tpu.dimension_semantics<core_parallel>, #tpu.dimension_semantics<subcore_parallel>], iteration_bounds = array<i64: 2, 16>, scalar_prefetch = 0 : i64, scratch_operands = 8 : i64, tpu.core_type = #tpu.core_type<sc_vector_subcore>, window_params = [{transform_indices = #map}, {transform_indices = #map1}, {transform_indices = #map1}, {transform_indices = #map}]} {
    %mul3A = arith.constant 5120 : i32
    %mul3A_0 = arith.muli %arg0, %mul3A : i32
    %mul3A_1 = arith.constant 16772096 : i32
    %mul3A_2 = arith.muli %arg0, %mul3A_1 : i32
    %add3A = arith.constant 5120 : i32
    %add3A_3 = arith.addi %add3A, %mul3A_2 : i32
    %broadcast_in_dim3A = arith.constant 0.000000e+00 : f32
    %broadcast_in_dim3A_4 = vector.broadcast %broadcast_in_dim3A : f32 to vector<16xf32>
    %scan3A = arith.constant 0 : i32
    %scan3A_5 = arith.constant 0 : i32
    %scan3A_6 = arith.constant 128 : i32
    %scan3A_7 = arith.addi %scan3A_5, %scan3A_6 : i32
    %scan3A_8 = arith.constant 1 : i32
    scf.for %scan3A_68 = %scan3A_5 to %scan3A_7 step %scan3A_8  : i32 {
      %swap3A = arith.index_cast %scan3A_68 : i32 to index
      %swap3A_69 = arith.constant 0 : index
      %swap3A_70 = tpu.vector_load %arg10[%swap3A, %swap3A_69] {strides = array<i32>} : memref<128x128xf32, #tpu.memory_space<vmem>>, vector<1x16xf32>,
      %swap3A_71 = vector.shape_cast %swap3A_70 : vector<1x16xf32> to vector<16xf32>
      %swap3A_72 = vector.shape_cast %broadcast_in_dim3A_4 : vector<16xf32> to vector<1x16xf32>
      tpu.vector_store %arg10[%swap3A, %swap3A_69], %swap3A_72 {strides = array<i32>} : memref<128x128xf32, #tpu.memory_space<vmem>>, vector<1x16xf32>,
      %swap3A_73 = arith.index_cast %scan3A_68 : i32 to index
      %swap3A_74 = arith.constant 16 : index
      %swap3A_75 = tpu.vector_load %arg10[%swap3A_73, %swap3A_74] {strides = array<i32>} : memref<128x128xf32, #tpu.memory_space<vmem>>, vector<1x16xf32>,
      %swap3A_76 = vector.shape_cast %swap3A_75 : vector<1x16xf32> to vector<16xf32>
      %swap3A_77 = vector.shape_cast %broadcast_in_dim3A_4 : vector<16xf32> to vector<1x16xf32>
      tpu.vector_store %arg10[%swap3A_73, %swap3A_74], %swap3A_77 {strides = array<i32>} : memref<128x128xf32, #tpu.memory_space<vmem>>, vector<1x16xf32>,
      %swap3A_78 = arith.index_cast %scan3A_68 : i32 to index
      %swap3A_79 = arith.constant 32 : index
      %swap3A_80 = tpu.vector_load %arg10[%swap3A_78, %swap3A_79] {strides = array<i32>} : memref<128x128xf32, #tpu.memory_space<vmem>>, vector<1x16xf32>,
      %swap3A_81 = vector.shape_cast %swap3A_80 : vector<1x16xf32> to vector<16xf32>
      %swap3A_82 = vector.shape_cast %broadcast_in_dim3A_4 : vector<16xf32> to vector<1x16xf32>
      tpu.vector_store %arg10[%swap3A_78, %swap3A_79], %swap3A_82 {strides = array<i32>} : memref<128x128xf32, #tpu.memory_space<vmem>>, vector<1x16xf32>,
      %swap3A_83 = arith.index_cast %scan3A_68 : i32 to index
      %swap3A_84 = arith.constant 48 : index
      %swap3A_85 = tpu.vector_load %arg10[%swap3A_83, %swap3A_84] {strides = array<i32>} : memref<128x128xf32, #tpu.memory_space<vmem>>, vector<1x16xf32>,
      %swap3A_86 = vector.shape_cast %swap3A_85 : vector<1x16xf32> to vector<16xf32>
      %swap3A_87 = vector.shape_cast %broadcast_in_dim3A_4 : vector<16xf32> to vector<1x16xf32>
      tpu.vector_store %arg10[%swap3A_83, %swap3A_84], %swap3A_87 {strides = array<i32>} : memref<128x128xf32, #tpu.memory_space<vmem>>, vector<1x16xf32>,
      %swap3A_88 = arith.index_cast %scan3A_68 : i32 to index
      %swap3A_89 = arith.constant 64 : index
      %swap3A_90 = tpu.vector_load %arg10[%swap3A_88, %swap3A_89] {strides = array<i32>} : memref<128x128xf32, #tpu.memory_space<vmem>>, vector<1x16xf32>,
      %swap3A_91 = vector.shape_cast %swap3A_90 : vector<1x16xf32> to vector<16xf32>
      %swap3A_92 = vector.shape_cast %broadcast_in_dim3A_4 : vector<16xf32> to vector<1x16xf32>
      tpu.vector_store %arg10[%swap3A_88, %swap3A_89], %swap3A_92 {strides = array<i32>} : memref<128x128xf32, #tpu.memory_space<vmem>>, vector<1x16xf32>,
      %swap3A_93 = arith.index_cast %scan3A_68 : i32 to index
      %swap3A_94 = arith.constant 80 : index
      %swap3A_95 = tpu.vector_load %arg10[%swap3A_93, %swap3A_94] {strides = array<i32>} : memref<128x128xf32, #tpu.memory_space<vmem>>, vector<1x16xf32>,
      %swap3A_96 = vector.shape_cast %swap3A_95 : vector<1x16xf32> to vector<16xf32>
      %swap3A_97 = vector.shape_cast %broadcast_in_dim3A_4 : vector<16xf32> to vector<1x16xf32>
      tpu.vector_store %arg10[%swap3A_93, %swap3A_94], %swap3A_97 {strides = array<i32>} : memref<128x128xf32, #tpu.memory_space<vmem>>, vector<1x16xf32>,
      %swap3A_98 = arith.index_cast %scan3A_68 : i32 to index
      %swap3A_99 = arith.constant 96 : index
      %swap3A_100 = tpu.vector_load %arg10[%swap3A_98, %swap3A_99] {strides = array<i32>} : memref<128x128xf32, #tpu.memory_space<vmem>>, vector<1x16xf32>,
      %swap3A_101 = vector.shape_cast %swap3A_100 : vector<1x16xf32> to vector<16xf32>
      %swap3A_102 = vector.shape_cast %broadcast_in_dim3A_4 : vector<16xf32> to vector<1x16xf32>
      tpu.vector_store %arg10[%swap3A_98, %swap3A_99], %swap3A_102 {strides = array<i32>} : memref<128x128xf32, #tpu.memory_space<vmem>>, vector<1x16xf32>,
      %swap3A_103 = arith.index_cast %scan3A_68 : i32 to index
      %swap3A_104 = arith.constant 112 : index
      %swap3A_105 = tpu.vector_load %arg10[%swap3A_103, %swap3A_104] {strides = array<i32>} : memref<128x128xf32, #tpu.memory_space<vmem>>, vector<1x16xf32>,
      %swap3A_106 = vector.shape_cast %swap3A_105 : vector<1x16xf32> to vector<16xf32>
      %swap3A_107 = vector.shape_cast %broadcast_in_dim3A_4 : vector<16xf32> to vector<1x16xf32>
      tpu.vector_store %arg10[%swap3A_103, %swap3A_104], %swap3A_107 {strides = array<i32>} : memref<128x128xf32, #tpu.memory_space<vmem>>, vector<1x16xf32>,
    }
    %scan3A_9 = arith.constant 128 : i32
    %mul3A_10 = arith.constant 321 : i32
    %mul3A_11 = arith.muli %arg1, %mul3A_10 : i32
    %add3A_12 = arith.constant 0 : i32
    %add3A_13 = arith.addi %mul3A_11, %add3A_12 : i32
    "tpu.region"() ({
      %run_scoped3A = tpu.sem_alloc : memref<!tpu.dma_semaphore, #tpu.memory_space<semaphore_mem>>
      %dma_start3A_68 = arith.constant 0 : i32
      %dma_start3A_69 = arith.constant 0 : i32
      %dma_start3A_70 = tpu.memref_slice %arg10[%dma_start3A_68, %dma_start3A_69] : memref<128x128xf32, #tpu.memory_space<vmem>> -> memref<128x128xf32, #tpu.memory_space<vmem>>
      %dma_start3A_71 = arith.constant 0 : i32
      %dma_start3A_72 = tpu.memref_slice %arg11[%add3A_13, %dma_start3A_71] : memref<5136x128xf32, #tpu.memory_space<vmem_shared>> -> memref<128x128xf32, #tpu.memory_space<vmem_shared>>
      %dma_start3A_73 = arith.constant 0 : i32
      %dma_start3A_74 = tpu.memref_slice %arg11[%add3A_13, %dma_start3A_73] : memref<5136x128xf32, #tpu.memory_space<vmem_shared>> -> memref<128x128xf32, #tpu.memory_space<vmem_shared>>
      %dma_start3A_75 = arith.constant 0 : i32
      %dma_start3A_76 = arith.constant 0 : i32
      %dma_start3A_77 = tpu.memref_slice %arg10[%dma_start3A_75, %dma_start3A_76] : memref<128x128xf32, #tpu.memory_space<vmem>> -> memref<128x128xf32, #tpu.memory_space<vmem>>
      tpu.enqueue_dma source(%dma_start3A_77 : memref<128x128xf32, #tpu.memory_space<vmem>>) target(%dma_start3A_74 : memref<128x128xf32, #tpu.memory_space<vmem_shared>>) target_semaphore(%run_scoped3A : memref<!tpu.dma_semaphore, #tpu.memory_space<semaphore_mem>>)
      %dma_wait3A = arith.constant 0 : i32
      %dma_wait3A_78 = arith.constant 0 : i32
      %dma_wait3A_79 = tpu.memref_slice %arg10[%dma_wait3A, %dma_wait3A_78] : memref<128x128xf32, #tpu.memory_space<vmem>> -> memref<128x128xf32, #tpu.memory_space<vmem>>
      %dma_wait3A_80 = arith.constant 0 : i32
      %dma_wait3A_81 = tpu.memref_slice %arg11[%add3A_13, %dma_wait3A_80] : memref<5136x128xf32, #tpu.memory_space<vmem_shared>> -> memref<128x128xf32, #tpu.memory_space<vmem_shared>>
      %dma_wait3A_82 = arith.constant 0 : i32
      %dma_wait3A_83 = tpu.memref_slice %arg11[%add3A_13, %dma_wait3A_82] : memref<5136x128xf32, #tpu.memory_space<vmem_shared>> -> memref<128x128xf32, #tpu.memory_space<vmem_shared>>
      %dma_wait3A_84 = arith.constant 0 : i32
      %dma_wait3A_85 = arith.constant 0 : i32
      %dma_wait3A_86 = tpu.memref_slice %arg10[%dma_wait3A_84, %dma_wait3A_85] : memref<128x128xf32, #tpu.memory_space<vmem>> -> memref<128x128xf32, #tpu.memory_space<vmem>>
      tpu.wait_dma2 semaphore(%run_scoped3A : memref<!tpu.dma_semaphore, #tpu.memory_space<semaphore_mem>>) src(%dma_wait3A_86 : memref<128x128xf32, #tpu.memory_space<vmem>>) dst(%dma_wait3A_83 : memref<128x128xf32, #tpu.memory_space<vmem_shared>>)
      tpu.yield
    }) : () -> ()
    %mul3A_14 = arith.constant 321 : i32
    %mul3A_15 = arith.muli %arg1, %mul3A_14 : i32
    %add3A_16 = arith.constant 128 : i32
    %add3A_17 = arith.addi %mul3A_15, %add3A_16 : i32
    "tpu.region"() ({
      %run_scoped3A = tpu.sem_alloc : memref<!tpu.dma_semaphore, #tpu.memory_space<semaphore_mem>>
      %dma_start3A_68 = arith.constant 0 : i32
      %dma_start3A_69 = arith.constant 0 : i32
      %dma_start3A_70 = tpu.memref_slice %arg10[%dma_start3A_68, %dma_start3A_69] : memref<128x128xf32, #tpu.memory_space<vmem>> -> memref<128x128xf32, #tpu.memory_space<vmem>>
      %dma_start3A_71 = arith.constant 0 : i32
      %dma_start3A_72 = tpu.memref_slice %arg11[%add3A_17, %dma_start3A_71] : memref<5136x128xf32, #tpu.memory_space<vmem_shared>> -> memref<128x128xf32, #tpu.memory_space<vmem_shared>>
      %dma_start3A_73 = arith.constant 0 : i32
      %dma_start3A_74 = tpu.memref_slice %arg11[%add3A_17, %dma_start3A_73] : memref<5136x128xf32, #tpu.memory_space<vmem_shared>> -> memref<128x128xf32, #tpu.memory_space<vmem_shared>>
      %dma_start3A_75 = arith.constant 0 : i32
      %dma_start3A_76 = arith.constant 0 : i32
      %dma_start3A_77 = tpu.memref_slice %arg10[%dma_start3A_75, %dma_start3A_76] : memref<128x128xf32, #tpu.memory_space<vmem>> -> memref<128x128xf32, #tpu.memory_space<vmem>>
      tpu.enqueue_dma source(%dma_start3A_77 : memref<128x128xf32, #tpu.memory_space<vmem>>) target(%dma_start3A_74 : memref<128x128xf32, #tpu.memory_space<vmem_shared>>) target_semaphore(%run_scoped3A : memref<!tpu.dma_semaphore, #tpu.memory_space<semaphore_mem>>)
      %dma_wait3A = arith.constant 0 : i32
      %dma_wait3A_78 = arith.constant 0 : i32
      %dma_wait3A_79 = tpu.memref_slice %arg10[%dma_wait3A, %dma_wait3A_78] : memref<128x128xf32, #tpu.memory_space<vmem>> -> memref<128x128xf32, #tpu.memory_space<vmem>>
      %dma_wait3A_80 = arith.constant 0 : i32
      %dma_wait3A_81 = tpu.memref_slice %arg11[%add3A_17, %dma_wait3A_80] : memref<5136x128xf32, #tpu.memory_space<vmem_shared>> -> memref<128x128xf32, #tpu.memory_space<vmem_shared>>
      %dma_wait3A_82 = arith.constant 0 : i32
      %dma_wait3A_83 = tpu.memref_slice %arg11[%add3A_17, %dma_wait3A_82] : memref<5136x128xf32, #tpu.memory_space<vmem_shared>> -> memref<128x128xf32, #tpu.memory_space<vmem_shared>>
      %dma_wait3A_84 = arith.constant 0 : i32
      %dma_wait3A_85 = arith.constant 0 : i32
      %dma_wait3A_86 = tpu.memref_slice %arg10[%dma_wait3A_84, %dma_wait3A_85] : memref<128x128xf32, #tpu.memory_space<vmem>> -> memref<128x128xf32, #tpu.memory_space<vmem>>
      tpu.wait_dma2 semaphore(%run_scoped3A : memref<!tpu.dma_semaphore, #tpu.memory_space<semaphore_mem>>) src(%dma_wait3A_86 : memref<128x128xf32, #tpu.memory_space<vmem>>) dst(%dma_wait3A_83 : memref<128x128xf32, #tpu.memory_space<vmem_shared>>)
      tpu.yield
    }) : () -> ()
    %mul3A_18 = arith.constant 321 : i32
    %mul3A_19 = arith.muli %arg1, %mul3A_18 : i32
    %add3A_20 = arith.constant 256 : i32
    %add3A_21 = arith.addi %mul3A_19, %add3A_20 : i32
    "tpu.region"() ({
      %run_scoped3A = tpu.sem_alloc : memref<!tpu.dma_semaphore, #tpu.memory_space<semaphore_mem>>
      %dma_start3A_68 = arith.constant 0 : i32
      %dma_start3A_69 = arith.constant 0 : i32
      %dma_start3A_70 = tpu.memref_slice %arg10[%dma_start3A_68, %dma_start3A_69] : memref<128x128xf32, #tpu.memory_space<vmem>> -> memref<65x128xf32, #tpu.memory_space<vmem>>
      %dma_start3A_71 = arith.constant 0 : i32
      %dma_start3A_72 = tpu.memref_slice %arg11[%add3A_21, %dma_start3A_71] : memref<5136x128xf32, #tpu.memory_space<vmem_shared>> -> memref<65x128xf32, #tpu.memory_space<vmem_shared>>
      %dma_start3A_73 = arith.constant 0 : i32
      %dma_start3A_74 = tpu.memref_slice %arg11[%add3A_21, %dma_start3A_73] : memref<5136x128xf32, #tpu.memory_space<vmem_shared>> -> memref<65x128xf32, #tpu.memory_space<vmem_shared>>
      %dma_start3A_75 = arith.constant 0 : i32
      %dma_start3A_76 = arith.constant 0 : i32
      %dma_start3A_77 = tpu.memref_slice %arg10[%dma_start3A_75, %dma_start3A_76] : memref<128x128xf32, #tpu.memory_space<vmem>> -> memref<65x128xf32, #tpu.memory_space<vmem>>
      tpu.enqueue_dma source(%dma_start3A_77 : memref<65x128xf32, #tpu.memory_space<vmem>>) target(%dma_start3A_74 : memref<65x128xf32, #tpu.memory_space<vmem_shared>>) target_semaphore(%run_scoped3A : memref<!tpu.dma_semaphore, #tpu.memory_space<semaphore_mem>>)
      %dma_wait3A = arith.constant 0 : i32
      %dma_wait3A_78 = arith.constant 0 : i32
      %dma_wait3A_79 = tpu.memref_slice %arg10[%dma_wait3A, %dma_wait3A_78] : memref<128x128xf32, #tpu.memory_space<vmem>> -> memref<65x128xf32, #tpu.memory_space<vmem>>
      %dma_wait3A_80 = arith.constant 0 : i32
      %dma_wait3A_81 = tpu.memref_slice %arg11[%add3A_21, %dma_wait3A_80] : memref<5136x128xf32, #tpu.memory_space<vmem_shared>> -> memref<65x128xf32, #tpu.memory_space<vmem_shared>>
      %dma_wait3A_82 = arith.constant 0 : i32
      %dma_wait3A_83 = tpu.memref_slice %arg11[%add3A_21, %dma_wait3A_82] : memref<5136x128xf32, #tpu.memory_space<vmem_shared>> -> memref<65x128xf32, #tpu.memory_space<vmem_shared>>
      %dma_wait3A_84 = arith.constant 0 : i32
      %dma_wait3A_85 = arith.constant 0 : i32
      %dma_wait3A_86 = tpu.memref_slice %arg10[%dma_wait3A_84, %dma_wait3A_85] : memref<128x128xf32, #tpu.memory_space<vmem>> -> memref<65x128xf32, #tpu.memory_space<vmem>>
      tpu.wait_dma2 semaphore(%run_scoped3A : memref<!tpu.dma_semaphore, #tpu.memory_space<semaphore_mem>>) src(%dma_wait3A_86 : memref<65x128xf32, #tpu.memory_space<vmem>>) dst(%dma_wait3A_83 : memref<65x128xf32, #tpu.memory_space<vmem_shared>>)
      tpu.yield
    }) : () -> ()
    %barrier3A = arith.constant 0 : index
    tpu.barrier barrier_id(%barrier3A)
    "tpu.region"() ({
      %run_scoped3A = tpu.sem_alloc : memref<!tpu.dma_semaphore, #tpu.memory_space<semaphore_mem>>
      %dma_start3A_68 = arith.constant 0 : i32
      %dma_start3A_69 = arith.constant 0 : i32
      %dma_start3A_70 = tpu.memref_slice %arg3[%arg1, %dma_start3A_68, %dma_start3A_69] : memref<16x158x128xi32, #tpu.memory_space<hbm>> -> memref<1x158x128xi32, #tpu.memory_space<hbm>>
      %dma_start3A_71 = tpu.memref_squeeze %dma_start3A_70 : memref<1x158x128xi32, #tpu.memory_space<hbm>> -> memref<158x128xi32, #tpu.memory_space<hbm>>
      %dma_start3A_72 = arith.constant 0 : i32
      %dma_start3A_73 = arith.constant 0 : i32
      %dma_start3A_74 = tpu.memref_slice %arg3[%arg1, %dma_start3A_72, %dma_start3A_73] : memref<16x158x128xi32, #tpu.memory_space<hbm>> -> memref<1x158x128xi32, #tpu.memory_space<hbm>>
      %dma_start3A_75 = tpu.memref_squeeze %dma_start3A_74 : memref<1x158x128xi32, #tpu.memory_space<hbm>> -> memref<158x128xi32, #tpu.memory_space<hbm>>
      tpu.enqueue_dma source(%dma_start3A_75 : memref<158x128xi32, #tpu.memory_space<hbm>>) target(%arg6 : memref<158x128xi32, #tpu.memory_space<vmem>>) target_semaphore(%run_scoped3A : memref<!tpu.dma_semaphore, #tpu.memory_space<semaphore_mem>>)
      %dma_wait3A = arith.constant 0 : i32
      %dma_wait3A_76 = arith.constant 0 : i32
      %dma_wait3A_77 = tpu.memref_slice %arg3[%arg1, %dma_wait3A, %dma_wait3A_76] : memref<16x158x128xi32, #tpu.memory_space<hbm>> -> memref<1x158x128xi32, #tpu.memory_space<hbm>>
      %dma_wait3A_78 = tpu.memref_squeeze %dma_wait3A_77 : memref<1x158x128xi32, #tpu.memory_space<hbm>> -> memref<158x128xi32, #tpu.memory_space<hbm>>
      %dma_wait3A_79 = arith.constant 0 : i32
      %dma_wait3A_80 = arith.constant 0 : i32
      %dma_wait3A_81 = tpu.memref_slice %arg3[%arg1, %dma_wait3A_79, %dma_wait3A_80] : memref<16x158x128xi32, #tpu.memory_space<hbm>> -> memref<1x158x128xi32, #tpu.memory_space<hbm>>
      %dma_wait3A_82 = tpu.memref_squeeze %dma_wait3A_81 : memref<1x158x128xi32, #tpu.memory_space<hbm>> -> memref<158x128xi32, #tpu.memory_space<hbm>>
      tpu.wait_dma2 semaphore(%run_scoped3A : memref<!tpu.dma_semaphore, #tpu.memory_space<semaphore_mem>>) src(%dma_wait3A_82 : memref<158x128xi32, #tpu.memory_space<hbm>>) dst(%arg6 : memref<158x128xi32, #tpu.memory_space<vmem>>)
      tpu.yield
    }) : () -> ()
    "tpu.region"() ({
      %run_scoped3A = tpu.sem_alloc : memref<!tpu.dma_semaphore, #tpu.memory_space<semaphore_mem>>
      %dma_start3A_68 = arith.constant 0 : i32
      %dma_start3A_69 = arith.constant 0 : i32
      %dma_start3A_70 = tpu.memref_slice %arg4[%arg1, %dma_start3A_68, %dma_start3A_69] : memref<16x158x128xi32, #tpu.memory_space<hbm>> -> memref<1x158x128xi32, #tpu.memory_space<hbm>>
      %dma_start3A_71 = tpu.memref_squeeze %dma_start3A_70 : memref<1x158x128xi32, #tpu.memory_space<hbm>> -> memref<158x128xi32, #tpu.memory_space<hbm>>
      %dma_start3A_72 = arith.constant 0 : i32
      %dma_start3A_73 = arith.constant 0 : i32
      %dma_start3A_74 = tpu.memref_slice %arg4[%arg1, %dma_start3A_72, %dma_start3A_73] : memref<16x158x128xi32, #tpu.memory_space<hbm>> -> memref<1x158x128xi32, #tpu.memory_space<hbm>>
      %dma_start3A_75 = tpu.memref_squeeze %dma_start3A_74 : memref<1x158x128xi32, #tpu.memory_space<hbm>> -> memref<158x128xi32, #tpu.memory_space<hbm>>
      tpu.enqueue_dma source(%dma_start3A_75 : memref<158x128xi32, #tpu.memory_space<hbm>>) target(%arg7 : memref<158x128xi32, #tpu.memory_space<vmem>>) target_semaphore(%run_scoped3A : memref<!tpu.dma_semaphore, #tpu.memory_space<semaphore_mem>>)
      %dma_wait3A = arith.constant 0 : i32
      %dma_wait3A_76 = arith.constant 0 : i32
      %dma_wait3A_77 = tpu.memref_slice %arg4[%arg1, %dma_wait3A, %dma_wait3A_76] : memref<16x158x128xi32, #tpu.memory_space<hbm>> -> memref<1x158x128xi32, #tpu.memory_space<hbm>>
      %dma_wait3A_78 = tpu.memref_squeeze %dma_wait3A_77 : memref<1x158x128xi32, #tpu.memory_space<hbm>> -> memref<158x128xi32, #tpu.memory_space<hbm>>
      %dma_wait3A_79 = arith.constant 0 : i32
      %dma_wait3A_80 = arith.constant 0 : i32
      %dma_wait3A_81 = tpu.memref_slice %arg4[%arg1, %dma_wait3A_79, %dma_wait3A_80] : memref<16x158x128xi32, #tpu.memory_space<hbm>> -> memref<1x158x128xi32, #tpu.memory_space<hbm>>
      %dma_wait3A_82 = tpu.memref_squeeze %dma_wait3A_81 : memref<1x158x128xi32, #tpu.memory_space<hbm>> -> memref<158x128xi32, #tpu.memory_space<hbm>>
      tpu.wait_dma2 semaphore(%run_scoped3A : memref<!tpu.dma_semaphore, #tpu.memory_space<semaphore_mem>>) src(%dma_wait3A_82 : memref<158x128xi32, #tpu.memory_space<hbm>>) dst(%arg7 : memref<158x128xi32, #tpu.memory_space<vmem>>)
      tpu.yield
    }) : () -> ()
    %dma_start3A = arith.constant 0 : i32
    %dma_start3A_22 = arith.constant 0 : i32
    %dma_start3A_23 = tpu.memref_slice %arg6[%dma_start3A, %dma_start3A_22] : memref<158x128xi32, #tpu.memory_space<vmem>> -> memref<1x128xi32, #tpu.memory_space<vmem>>
    %dma_start3A_24 = tpu.memref_squeeze %dma_start3A_23 : memref<1x128xi32, #tpu.memory_space<vmem>> -> memref<128xi32, #tpu.memory_space<vmem>>
    %dma_start3A_25 = arith.constant 0 : i32
    %dma_start3A_26 = arith.constant 0 : i32
    %dma_start3A_27 = tpu.memref_slice %arg2[%dma_start3A_25, %dma_start3A_26] : memref<10240x128xf32, #tpu.memory_space<hbm>> -> memref<10240x128xf32, #tpu.memory_space<hbm>>
    tpu.enqueue_indirect_dma source(%dma_start3A_27 : memref<10240x128xf32, #tpu.memory_space<hbm>>) target(%arg9 : memref<128x128xf32, #tpu.memory_space<vmem>>) offsets(%dma_start3A_24 : memref<128xi32, #tpu.memory_space<vmem>>) semaphore(%arg12 : memref<!tpu.dma_semaphore, #tpu.memory_space<semaphore_mem>>)
    %scan3A_28 = arith.constant 0 : i32
    %scan3A_29 = arith.constant 0 : i32
    %scan3A_30 = arith.constant 79 : i32
    %scan3A_31 = arith.addi %scan3A_29, %scan3A_30 : i32
    %scan3A_32 = arith.constant 1 : i32
    scf.for %scan3A_68 = %scan3A_29 to %scan3A_31 step %scan3A_32  : i32 {
      %mul3A_69 = arith.constant 2 : i32
      %mul3A_70 = arith.muli %mul3A_69, %scan3A_68 : i32
      %add3A_71 = arith.constant 1 : i32
      %add3A_72 = arith.addi %mul3A_70, %add3A_71 : i32
      %dma_start3A_73 = arith.constant 0 : i32
      %dma_start3A_74 = tpu.memref_slice %arg6[%add3A_72, %dma_start3A_73] : memref<158x128xi32, #tpu.memory_space<vmem>> -> memref<1x128xi32, #tpu.memory_space<vmem>>
      %dma_start3A_75 = tpu.memref_squeeze %dma_start3A_74 : memref<1x128xi32, #tpu.memory_space<vmem>> -> memref<128xi32, #tpu.memory_space<vmem>>
      %dma_start3A_76 = arith.constant 0 : i32
      %dma_start3A_77 = arith.constant 0 : i32
      %dma_start3A_78 = tpu.memref_slice %arg2[%dma_start3A_76, %dma_start3A_77] : memref<10240x128xf32, #tpu.memory_space<hbm>> -> memref<10240x128xf32, #tpu.memory_space<hbm>>
      tpu.enqueue_indirect_dma source(%dma_start3A_78 : memref<10240x128xf32, #tpu.memory_space<hbm>>) target(%arg10 : memref<128x128xf32, #tpu.memory_space<vmem>>) offsets(%dma_start3A_75 : memref<128xi32, #tpu.memory_space<vmem>>) semaphore(%arg13 : memref<!tpu.dma_semaphore, #tpu.memory_space<semaphore_mem>>)
      %dma_wait3A = arith.constant 0 : i32
      %dma_wait3A_79 = tpu.memref_slice %arg6[%mul3A_70, %dma_wait3A] : memref<158x128xi32, #tpu.memory_space<vmem>> -> memref<1x128xi32, #tpu.memory_space<vmem>>
      %dma_wait3A_80 = tpu.memref_squeeze %dma_wait3A_79 : memref<1x128xi32, #tpu.memory_space<vmem>> -> memref<128xi32, #tpu.memory_space<vmem>>
      %dma_wait3A_81 = arith.constant 0 : i32
      %dma_wait3A_82 = arith.constant 0 : i32
      %dma_wait3A_83 = tpu.memref_slice %arg2[%dma_wait3A_81, %dma_wait3A_82] : memref<10240x128xf32, #tpu.memory_space<hbm>> -> memref<10240x128xf32, #tpu.memory_space<hbm>>
      tpu.wait_indirect_dma semaphore(%arg12 : memref<!tpu.dma_semaphore, #tpu.memory_space<semaphore_mem>>) src(%dma_wait3A_83 : memref<10240x128xf32, #tpu.memory_space<hbm>>) dst(%arg9 : memref<128x128xf32, #tpu.memory_space<vmem>>)
      %get3A = arith.index_cast %mul3A_70 : i32 to index
      %get3A_84 = arith.constant 0 : index
      %get3A_85 = tpu.vector_load %arg7[%get3A, %get3A_84] {strides = array<i32>} : memref<158x128xi32, #tpu.memory_space<vmem>>, vector<1x16xi32>,
      %get3A_86 = vector.shape_cast %get3A_85 : vector<1x16xi32> to vector<16xi32>
      %ge3A = vector.broadcast %mul3A_0 : i32 to vector<16xi32>
      %ge3A_87 = arith.cmpi sge, %get3A_86, %ge3A : vector<16xi32>
      %lt3A = vector.broadcast %add3A_3 : i32 to vector<16xi32>
      %lt3A_88 = arith.cmpi slt, %get3A_86, %lt3A : vector<16xi32>
      %and3A = arith.andi %ge3A_87, %lt3A_88 : vector<16xi1>
      %sub3A = vector.broadcast %mul3A_0 : i32 to vector<16xi32>
      %sub3A_89 = arith.subi %get3A_86, %sub3A : vector<16xi32>
      %jit3A = arith.constant 5120 : i32
      %broadcast_in_dim3A_90 = vector.broadcast %jit3A : i32 to vector<16xi32>
      %select_n3A = arith.select %and3A, %sub3A_89, %broadcast_in_dim3A_90 : vector<16xi1>, vector<16xi32>
      %swap3A = arith.constant 0 : index
      %swap3A_91 = tpu.vector_load %arg8[%swap3A] {strides = array<i32>} : memref<128xi32, #tpu.memory_space<vmem>>, vector<16xi32>,
      %swap3A_92 = vector.shape_cast %swap3A_91 : vector<16xi32> to vector<16xi32>
      %swap3A_93 = vector.shape_cast %select_n3A : vector<16xi32> to vector<16xi32>
      tpu.vector_store %arg8[%swap3A], %swap3A_93 {strides = array<i32>} : memref<128xi32, #tpu.memory_space<vmem>>, vector<16xi32>,
      %get3A_94 = arith.index_cast %mul3A_70 : i32 to index
      %get3A_95 = arith.constant 16 : index
      %get3A_96 = tpu.vector_load %arg7[%get3A_94, %get3A_95] {strides = array<i32>} : memref<158x128xi32, #tpu.memory_space<vmem>>, vector<1x16xi32>,
      %get3A_97 = vector.shape_cast %get3A_96 : vector<1x16xi32> to vector<16xi32>
      %ge3A_98 = vector.broadcast %mul3A_0 : i32 to vector<16xi32>
      %ge3A_99 = arith.cmpi sge, %get3A_97, %ge3A_98 : vector<16xi32>
      %lt3A_100 = vector.broadcast %add3A_3 : i32 to vector<16xi32>
      %lt3A_101 = arith.cmpi slt, %get3A_97, %lt3A_100 : vector<16xi32>
      %and3A_102 = arith.andi %ge3A_99, %lt3A_101 : vector<16xi1>
      %sub3A_103 = vector.broadcast %mul3A_0 : i32 to vector<16xi32>
      %sub3A_104 = arith.subi %get3A_97, %sub3A_103 : vector<16xi32>
      %jit3A_105 = arith.constant 5120 : i32
      %broadcast_in_dim3A_106 = vector.broadcast %jit3A_105 : i32 to vector<16xi32>
      %select_n3A_107 = arith.select %and3A_102, %sub3A_104, %broadcast_in_dim3A_106 : vector<16xi1>, vector<16xi32>
      %swap3A_108 = arith.constant 16 : index
      %swap3A_109 = tpu.vector_load %arg8[%swap3A_108] {strides = array<i32>} : memref<128xi32, #tpu.memory_space<vmem>>, vector<16xi32>,
      %swap3A_110 = vector.shape_cast %swap3A_109 : vector<16xi32> to vector<16xi32>
      %swap3A_111 = vector.shape_cast %select_n3A_107 : vector<16xi32> to vector<16xi32>
      tpu.vector_store %arg8[%swap3A_108], %swap3A_111 {strides = array<i32>} : memref<128xi32, #tpu.memory_space<vmem>>, vector<16xi32>,
      %get3A_112 = arith.index_cast %mul3A_70 : i32 to index
      %get3A_113 = arith.constant 32 : index
      %get3A_114 = tpu.vector_load %arg7[%get3A_112, %get3A_113] {strides = array<i32>} : memref<158x128xi32, #tpu.memory_space<vmem>>, vector<1x16xi32>,
      %get3A_115 = vector.shape_cast %get3A_114 : vector<1x16xi32> to vector<16xi32>
      %ge3A_116 = vector.broadcast %mul3A_0 : i32 to vector<16xi32>
      %ge3A_117 = arith.cmpi sge, %get3A_115, %ge3A_116 : vector<16xi32>
      %lt3A_118 = vector.broadcast %add3A_3 : i32 to vector<16xi32>
      %lt3A_119 = arith.cmpi slt, %get3A_115, %lt3A_118 : vector<16xi32>
      %and3A_120 = arith.andi %ge3A_117, %lt3A_119 : vector<16xi1>
      %sub3A_121 = vector.broadcast %mul3A_0 : i32 to vector<16xi32>
      %sub3A_122 = arith.subi %get3A_115, %sub3A_121 : vector<16xi32>
      %jit3A_123 = arith.constant 5120 : i32
      %broadcast_in_dim3A_124 = vector.broadcast %jit3A_123 : i32 to vector<16xi32>
      %select_n3A_125 = arith.select %and3A_120, %sub3A_122, %broadcast_in_dim3A_124 : vector<16xi1>, vector<16xi32>
      %swap3A_126 = arith.constant 32 : index
      %swap3A_127 = tpu.vector_load %arg8[%swap3A_126] {strides = array<i32>} : memref<128xi32, #tpu.memory_space<vmem>>, vector<16xi32>,
      %swap3A_128 = vector.shape_cast %swap3A_127 : vector<16xi32> to vector<16xi32>
      %swap3A_129 = vector.shape_cast %select_n3A_125 : vector<16xi32> to vector<16xi32>
      tpu.vector_store %arg8[%swap3A_126], %swap3A_129 {strides = array<i32>} : memref<128xi32, #tpu.memory_space<vmem>>, vector<16xi32>,
      %get3A_130 = arith.index_cast %mul3A_70 : i32 to index
      %get3A_131 = arith.constant 48 : index
      %get3A_132 = tpu.vector_load %arg7[%get3A_130, %get3A_131] {strides = array<i32>} : memref<158x128xi32, #tpu.memory_space<vmem>>, vector<1x16xi32>,
      %get3A_133 = vector.shape_cast %get3A_132 : vector<1x16xi32> to vector<16xi32>
      %ge3A_134 = vector.broadcast %mul3A_0 : i32 to vector<16xi32>
      %ge3A_135 = arith.cmpi sge, %get3A_133, %ge3A_134 : vector<16xi32>
      %lt3A_136 = vector.broadcast %add3A_3 : i32 to vector<16xi32>
      %lt3A_137 = arith.cmpi slt, %get3A_133, %lt3A_136 : vector<16xi32>
      %and3A_138 = arith.andi %ge3A_135, %lt3A_137 : vector<16xi1>
      %sub3A_139 = vector.broadcast %mul3A_0 : i32 to vector<16xi32>
      %sub3A_140 = arith.subi %get3A_133, %sub3A_139 : vector<16xi32>
      %jit3A_141 = arith.constant 5120 : i32
      %broadcast_in_dim3A_142 = vector.broadcast %jit3A_141 : i32 to vector<16xi32>
      %select_n3A_143 = arith.select %and3A_138, %sub3A_140, %broadcast_in_dim3A_142 : vector<16xi1>, vector<16xi32>
      %swap3A_144 = arith.constant 48 : index
      %swap3A_145 = tpu.vector_load %arg8[%swap3A_144] {strides = array<i32>} : memref<128xi32, #tpu.memory_space<vmem>>, vector<16xi32>,
      %swap3A_146 = vector.shape_cast %swap3A_145 : vector<16xi32> to vector<16xi32>
      %swap3A_147 = vector.shape_cast %select_n3A_143 : vector<16xi32> to vector<16xi32>
      tpu.vector_store %arg8[%swap3A_144], %swap3A_147 {strides = array<i32>} : memref<128xi32, #tpu.memory_space<vmem>>, vector<16xi32>,
      %get3A_148 = arith.index_cast %mul3A_70 : i32 to index
      %get3A_149 = arith.constant 64 : index
      %get3A_150 = tpu.vector_load %arg7[%get3A_148, %get3A_149] {strides = array<i32>} : memref<158x128xi32, #tpu.memory_space<vmem>>, vector<1x16xi32>,
      %get3A_151 = vector.shape_cast %get3A_150 : vector<1x16xi32> to vector<16xi32>
      %ge3A_152 = vector.broadcast %mul3A_0 : i32 to vector<16xi32>
      %ge3A_153 = arith.cmpi sge, %get3A_151, %ge3A_152 : vector<16xi32>
      %lt3A_154 = vector.broadcast %add3A_3 : i32 to vector<16xi32>
      %lt3A_155 = arith.cmpi slt, %get3A_151, %lt3A_154 : vector<16xi32>
      %and3A_156 = arith.andi %ge3A_153, %lt3A_155 : vector<16xi1>
      %sub3A_157 = vector.broadcast %mul3A_0 : i32 to vector<16xi32>
      %sub3A_158 = arith.subi %get3A_151, %sub3A_157 : vector<16xi32>
      %jit3A_159 = arith.constant 5120 : i32
      %broadcast_in_dim3A_160 = vector.broadcast %jit3A_159 : i32 to vector<16xi32>
      %select_n3A_161 = arith.select %and3A_156, %sub3A_158, %broadcast_in_dim3A_160 : vector<16xi1>, vector<16xi32>
      %swap3A_162 = arith.constant 64 : index
      %swap3A_163 = tpu.vector_load %arg8[%swap3A_162] {strides = array<i32>} : memref<128xi32, #tpu.memory_space<vmem>>, vector<16xi32>,
      %swap3A_164 = vector.shape_cast %swap3A_163 : vector<16xi32> to vector<16xi32>
      %swap3A_165 = vector.shape_cast %select_n3A_161 : vector<16xi32> to vector<16xi32>
      tpu.vector_store %arg8[%swap3A_162], %swap3A_165 {strides = array<i32>} : memref<128xi32, #tpu.memory_space<vmem>>, vector<16xi32>,
      %get3A_166 = arith.index_cast %mul3A_70 : i32 to index
      %get3A_167 = arith.constant 80 : index
      %get3A_168 = tpu.vector_load %arg7[%get3A_166, %get3A_167] {strides = array<i32>} : memref<158x128xi32, #tpu.memory_space<vmem>>, vector<1x16xi32>,
      %get3A_169 = vector.shape_cast %get3A_168 : vector<1x16xi32> to vector<16xi32>
      %ge3A_170 = vector.broadcast %mul3A_0 : i32 to vector<16xi32>
      %ge3A_171 = arith.cmpi sge, %get3A_169, %ge3A_170 : vector<16xi32>
      %lt3A_172 = vector.broadcast %add3A_3 : i32 to vector<16xi32>
      %lt3A_173 = arith.cmpi slt, %get3A_169, %lt3A_172 : vector<16xi32>
      %and3A_174 = arith.andi %ge3A_171, %lt3A_173 : vector<16xi1>
      %sub3A_175 = vector.broadcast %mul3A_0 : i32 to vector<16xi32>
      %sub3A_176 = arith.subi %get3A_169, %sub3A_175 : vector<16xi32>
      %jit3A_177 = arith.constant 5120 : i32
      %broadcast_in_dim3A_178 = vector.broadcast %jit3A_177 : i32 to vector<16xi32>
      %select_n3A_179 = arith.select %and3A_174, %sub3A_176, %broadcast_in_dim3A_178 : vector<16xi1>, vector<16xi32>
      %swap3A_180 = arith.constant 80 : index
      %swap3A_181 = tpu.vector_load %arg8[%swap3A_180] {strides = array<i32>} : memref<128xi32, #tpu.memory_space<vmem>>, vector<16xi32>,
      %swap3A_182 = vector.shape_cast %swap3A_181 : vector<16xi32> to vector<16xi32>
      %swap3A_183 = vector.shape_cast %select_n3A_179 : vector<16xi32> to vector<16xi32>
      tpu.vector_store %arg8[%swap3A_180], %swap3A_183 {strides = array<i32>} : memref<128xi32, #tpu.memory_space<vmem>>, vector<16xi32>,
      %get3A_184 = arith.index_cast %mul3A_70 : i32 to index
      %get3A_185 = arith.constant 96 : index
      %get3A_186 = tpu.vector_load %arg7[%get3A_184, %get3A_185] {strides = array<i32>} : memref<158x128xi32, #tpu.memory_space<vmem>>, vector<1x16xi32>,
      %get3A_187 = vector.shape_cast %get3A_186 : vector<1x16xi32> to vector<16xi32>
      %ge3A_188 = vector.broadcast %mul3A_0 : i32 to vector<16xi32>
      %ge3A_189 = arith.cmpi sge, %get3A_187, %ge3A_188 : vector<16xi32>
      %lt3A_190 = vector.broadcast %add3A_3 : i32 to vector<16xi32>
      %lt3A_191 = arith.cmpi slt, %get3A_187, %lt3A_190 : vector<16xi32>
      %and3A_192 = arith.andi %ge3A_189, %lt3A_191 : vector<16xi1>
      %sub3A_193 = vector.broadcast %mul3A_0 : i32 to vector<16xi32>
      %sub3A_194 = arith.subi %get3A_187, %sub3A_193 : vector<16xi32>
      %jit3A_195 = arith.constant 5120 : i32
      %broadcast_in_dim3A_196 = vector.broadcast %jit3A_195 : i32 to vector<16xi32>
      %select_n3A_197 = arith.select %and3A_192, %sub3A_194, %broadcast_in_dim3A_196 : vector<16xi1>, vector<16xi32>
      %swap3A_198 = arith.constant 96 : index
      %swap3A_199 = tpu.vector_load %arg8[%swap3A_198] {strides = array<i32>} : memref<128xi32, #tpu.memory_space<vmem>>, vector<16xi32>,
      %swap3A_200 = vector.shape_cast %swap3A_199 : vector<16xi32> to vector<16xi32>
      %swap3A_201 = vector.shape_cast %select_n3A_197 : vector<16xi32> to vector<16xi32>
      tpu.vector_store %arg8[%swap3A_198], %swap3A_201 {strides = array<i32>} : memref<128xi32, #tpu.memory_space<vmem>>, vector<16xi32>,
      %get3A_202 = arith.index_cast %mul3A_70 : i32 to index
      %get3A_203 = arith.constant 112 : index
      %get3A_204 = tpu.vector_load %arg7[%get3A_202, %get3A_203] {strides = array<i32>} : memref<158x128xi32, #tpu.memory_space<vmem>>, vector<1x16xi32>,
      %get3A_205 = vector.shape_cast %get3A_204 : vector<1x16xi32> to vector<16xi32>
      %ge3A_206 = vector.broadcast %mul3A_0 : i32 to vector<16xi32>
      %ge3A_207 = arith.cmpi sge, %get3A_205, %ge3A_206 : vector<16xi32>
      %lt3A_208 = vector.broadcast %add3A_3 : i32 to vector<16xi32>
      %lt3A_209 = arith.cmpi slt, %get3A_205, %lt3A_208 : vector<16xi32>
      %and3A_210 = arith.andi %ge3A_207, %lt3A_209 : vector<16xi1>
      %sub3A_211 = vector.broadcast %mul3A_0 : i32 to vector<16xi32>
      %sub3A_212 = arith.subi %get3A_205, %sub3A_211 : vector<16xi32>
      %jit3A_213 = arith.constant 5120 : i32
      %broadcast_in_dim3A_214 = vector.broadcast %jit3A_213 : i32 to vector<16xi32>
      %select_n3A_215 = arith.select %and3A_210, %sub3A_212, %broadcast_in_dim3A_214 : vector<16xi1>, vector<16xi32>
      %swap3A_216 = arith.constant 112 : index
      %swap3A_217 = tpu.vector_load %arg8[%swap3A_216] {strides = array<i32>} : memref<128xi32, #tpu.memory_space<vmem>>, vector<16xi32>,
      %swap3A_218 = vector.shape_cast %swap3A_217 : vector<16xi32> to vector<16xi32>
      %swap3A_219 = vector.shape_cast %select_n3A_215 : vector<16xi32> to vector<16xi32>
      tpu.vector_store %arg8[%swap3A_216], %swap3A_219 {strides = array<i32>} : memref<128xi32, #tpu.memory_space<vmem>>, vector<16xi32>,
      "tpu.region"() ({
        %run_scoped3A = tpu.sem_alloc : memref<!tpu.dma_semaphore, #tpu.memory_space<semaphore_mem>>
        %dma_start3A_375 = arith.constant 0 : i32
        %dma_start3A_376 = arith.constant 0 : i32
        %dma_start3A_377 = tpu.memref_slice %arg11[%dma_start3A_375, %dma_start3A_376] : memref<5136x128xf32, #tpu.memory_space<vmem_shared>> -> memref<5136x128xf32, #tpu.memory_space<vmem_shared>>
        tpu.enqueue_indirect_dma source(%arg9 : memref<128x128xf32, #tpu.memory_space<vmem>>) target(%dma_start3A_377 : memref<5136x128xf32, #tpu.memory_space<vmem_shared>>) offsets(%arg8 : memref<128xi32, #tpu.memory_space<vmem>>) semaphore(%run_scoped3A : memref<!tpu.dma_semaphore, #tpu.memory_space<semaphore_mem>>) {add = true}
        %dma_wait3A_378 = arith.constant 0 : i32
        %dma_wait3A_379 = arith.constant 0 : i32
        %dma_wait3A_380 = tpu.memref_slice %arg11[%dma_wait3A_378, %dma_wait3A_379] : memref<5136x128xf32, #tpu.memory_space<vmem_shared>> -> memref<5136x128xf32, #tpu.memory_space<vmem_shared>>
        tpu.wait_indirect_dma semaphore(%run_scoped3A : memref<!tpu.dma_semaphore, #tpu.memory_space<semaphore_mem>>) src(%arg9 : memref<128x128xf32, #tpu.memory_space<vmem>>) dst(%dma_wait3A_380 : memref<5136x128xf32, #tpu.memory_space<vmem_shared>>)
        tpu.yield
      }) : () -> ()
      %lt3A_220 = arith.constant 78 : i32
      %lt3A_221 = arith.cmpi slt, %scan3A_68, %lt3A_220 : i32
      %convert_element_type3A = arith.extui %lt3A_221 : i1 to i32
      %cond3A = arith.constant 0 : i32
      %cond3A_222 = arith.cmpi ne, %convert_element_type3A, %cond3A : i32
      scf.if %cond3A_222 {
        %add3A_375 = arith.constant 2 : i32
        %add3A_376 = arith.addi %mul3A_70, %add3A_375 : i32
        %dma_start3A_377 = arith.constant 0 : i32
        %dma_start3A_378 = tpu.memref_slice %arg6[%add3A_376, %dma_start3A_377] : memref<158x128xi32, #tpu.memory_space<vmem>> -> memref<1x128xi32, #tpu.memory_space<vmem>>
        %dma_start3A_379 = tpu.memref_squeeze %dma_start3A_378 : memref<1x128xi32, #tpu.memory_space<vmem>> -> memref<128xi32, #tpu.memory_space<vmem>>
        %dma_start3A_380 = arith.constant 0 : i32
        %dma_start3A_381 = arith.constant 0 : i32
        %dma_start3A_382 = tpu.memref_slice %arg2[%dma_start3A_380, %dma_start3A_381] : memref<10240x128xf32, #tpu.memory_space<hbm>> -> memref<10240x128xf32, #tpu.memory_space<hbm>>
        tpu.enqueue_indirect_dma source(%dma_start3A_382 : memref<10240x128xf32, #tpu.memory_space<hbm>>) target(%arg9 : memref<128x128xf32, #tpu.memory_space<vmem>>) offsets(%dma_start3A_379 : memref<128xi32, #tpu.memory_space<vmem>>) semaphore(%arg12 : memref<!tpu.dma_semaphore, #tpu.memory_space<semaphore_mem>>)
      } else {
      }
      %add3A_223 = arith.constant 1 : i32
      %add3A_224 = arith.addi %mul3A_70, %add3A_223 : i32
      %dma_wait3A_225 = arith.constant 0 : i32
      %dma_wait3A_226 = tpu.memref_slice %arg6[%add3A_224, %dma_wait3A_225] : memref<158x128xi32, #tpu.memory_space<vmem>> -> memref<1x128xi32, #tpu.memory_space<vmem>>
      %dma_wait3A_227 = tpu.memref_squeeze %dma_wait3A_226 : memref<1x128xi32, #tpu.memory_space<vmem>> -> memref<128xi32, #tpu.memory_space<vmem>>
      %dma_wait3A_228 = arith.constant 0 : i32
      %dma_wait3A_229 = arith.constant 0 : i32
      %dma_wait3A_230 = tpu.memref_slice %arg2[%dma_wait3A_228, %dma_wait3A_229] : memref<10240x128xf32, #tpu.memory_space<hbm>> -> memref<10240x128xf32, #tpu.memory_space<hbm>>
      tpu.wait_indirect_dma semaphore(%arg13 : memref<!tpu.dma_semaphore, #tpu.memory_space<semaphore_mem>>) src(%dma_wait3A_230 : memref<10240x128xf32, #tpu.memory_space<hbm>>) dst(%arg10 : memref<128x128xf32, #tpu.memory_space<vmem>>)
      %get3A_231 = arith.index_cast %add3A_224 : i32 to index
      %get3A_232 = arith.constant 0 : index
      %get3A_233 = tpu.vector_load %arg7[%get3A_231, %get3A_232] {strides = array<i32>} : memref<158x128xi32, #tpu.memory_space<vmem>>, vector<1x16xi32>,
      %get3A_234 = vector.shape_cast %get3A_233 : vector<1x16xi32> to vector<16xi32>
      %ge3A_235 = vector.broadcast %mul3A_0 : i32 to vector<16xi32>
      %ge3A_236 = arith.cmpi sge, %get3A_234, %ge3A_235 : vector<16xi32>
      %lt3A_237 = vector.broadcast %add3A_3 : i32 to vector<16xi32>
      %lt3A_238 = arith.cmpi slt, %get3A_234, %lt3A_237 : vector<16xi32>
      %and3A_239 = arith.andi %ge3A_236, %lt3A_238 : vector<16xi1>
      %sub3A_240 = vector.broadcast %mul3A_0 : i32 to vector<16xi32>
      %sub3A_241 = arith.subi %get3A_234, %sub3A_240 : vector<16xi32>
      %jit3A_242 = arith.constant 5120 : i32
      %broadcast_in_dim3A_243 = vector.broadcast %jit3A_242 : i32 to vector<16xi32>
      %select_n3A_244 = arith.select %and3A_239, %sub3A_241, %broadcast_in_dim3A_243 : vector<16xi1>, vector<16xi32>
      %swap3A_245 = arith.constant 0 : index
      %swap3A_246 = tpu.vector_load %arg8[%swap3A_245] {strides = array<i32>} : memref<128xi32, #tpu.memory_space<vmem>>, vector<16xi32>,
      %swap3A_247 = vector.shape_cast %swap3A_246 : vector<16xi32> to vector<16xi32>
      %swap3A_248 = vector.shape_cast %select_n3A_244 : vector<16xi32> to vector<16xi32>
      tpu.vector_store %arg8[%swap3A_245], %swap3A_248 {strides = array<i32>} : memref<128xi32, #tpu.memory_space<vmem>>, vector<16xi32>,
      %get3A_249 = arith.index_cast %add3A_224 : i32 to index
      %get3A_250 = arith.constant 16 : index
      %get3A_251 = tpu.vector_load %arg7[%get3A_249, %get3A_250] {strides = array<i32>} : memref<158x128xi32, #tpu.memory_space<vmem>>, vector<1x16xi32>,
      %get3A_252 = vector.shape_cast %get3A_251 : vector<1x16xi32> to vector<16xi32>
      %ge3A_253 = vector.broadcast %mul3A_0 : i32 to vector<16xi32>
      %ge3A_254 = arith.cmpi sge, %get3A_252, %ge3A_253 : vector<16xi32>
      %lt3A_255 = vector.broadcast %add3A_3 : i32 to vector<16xi32>
      %lt3A_256 = arith.cmpi slt, %get3A_252, %lt3A_255 : vector<16xi32>
      %and3A_257 = arith.andi %ge3A_254, %lt3A_256 : vector<16xi1>
      %sub3A_258 = vector.broadcast %mul3A_0 : i32 to vector<16xi32>
      %sub3A_259 = arith.subi %get3A_252, %sub3A_258 : vector<16xi32>
      %jit3A_260 = arith.constant 5120 : i32
      %broadcast_in_dim3A_261 = vector.broadcast %jit3A_260 : i32 to vector<16xi32>
      %select_n3A_262 = arith.select %and3A_257, %sub3A_259, %broadcast_in_dim3A_261 : vector<16xi1>, vector<16xi32>
      %swap3A_263 = arith.constant 16 : index
      %swap3A_264 = tpu.vector_load %arg8[%swap3A_263] {strides = array<i32>} : memref<128xi32, #tpu.memory_space<vmem>>, vector<16xi32>,
      %swap3A_265 = vector.shape_cast %swap3A_264 : vector<16xi32> to vector<16xi32>
      %swap3A_266 = vector.shape_cast %select_n3A_262 : vector<16xi32> to vector<16xi32>
      tpu.vector_store %arg8[%swap3A_263], %swap3A_266 {strides = array<i32>} : memref<128xi32, #tpu.memory_space<vmem>>, vector<16xi32>,
      %get3A_267 = arith.index_cast %add3A_224 : i32 to index
      %get3A_268 = arith.constant 32 : index
      %get3A_269 = tpu.vector_load %arg7[%get3A_267, %get3A_268] {strides = array<i32>} : memref<158x128xi32, #tpu.memory_space<vmem>>, vector<1x16xi32>,
      %get3A_270 = vector.shape_cast %get3A_269 : vector<1x16xi32> to vector<16xi32>
      %ge3A_271 = vector.broadcast %mul3A_0 : i32 to vector<16xi32>
      %ge3A_272 = arith.cmpi sge, %get3A_270, %ge3A_271 : vector<16xi32>
      %lt3A_273 = vector.broadcast %add3A_3 : i32 to vector<16xi32>
      %lt3A_274 = arith.cmpi slt, %get3A_270, %lt3A_273 : vector<16xi32>
      %and3A_275 = arith.andi %ge3A_272, %lt3A_274 : vector<16xi1>
      %sub3A_276 = vector.broadcast %mul3A_0 : i32 to vector<16xi32>
      %sub3A_277 = arith.subi %get3A_270, %sub3A_276 : vector<16xi32>
      %jit3A_278 = arith.constant 5120 : i32
      %broadcast_in_dim3A_279 = vector.broadcast %jit3A_278 : i32 to vector<16xi32>
      %select_n3A_280 = arith.select %and3A_275, %sub3A_277, %broadcast_in_dim3A_279 : vector<16xi1>, vector<16xi32>
      %swap3A_281 = arith.constant 32 : index
      %swap3A_282 = tpu.vector_load %arg8[%swap3A_281] {strides = array<i32>} : memref<128xi32, #tpu.memory_space<vmem>>, vector<16xi32>,
      %swap3A_283 = vector.shape_cast %swap3A_282 : vector<16xi32> to vector<16xi32>
      %swap3A_284 = vector.shape_cast %select_n3A_280 : vector<16xi32> to vector<16xi32>
      tpu.vector_store %arg8[%swap3A_281], %swap3A_284 {strides = array<i32>} : memref<128xi32, #tpu.memory_space<vmem>>, vector<16xi32>,
      %get3A_285 = arith.index_cast %add3A_224 : i32 to index
      %get3A_286 = arith.constant 48 : index
      %get3A_287 = tpu.vector_load %arg7[%get3A_285, %get3A_286] {strides = array<i32>} : memref<158x128xi32, #tpu.memory_space<vmem>>, vector<1x16xi32>,
      %get3A_288 = vector.shape_cast %get3A_287 : vector<1x16xi32> to vector<16xi32>
      %ge3A_289 = vector.broadcast %mul3A_0 : i32 to vector<16xi32>
      %ge3A_290 = arith.cmpi sge, %get3A_288, %ge3A_289 : vector<16xi32>
      %lt3A_291 = vector.broadcast %add3A_3 : i32 to vector<16xi32>
      %lt3A_292 = arith.cmpi slt, %get3A_288, %lt3A_291 : vector<16xi32>
      %and3A_293 = arith.andi %ge3A_290, %lt3A_292 : vector<16xi1>
      %sub3A_294 = vector.broadcast %mul3A_0 : i32 to vector<16xi32>
      %sub3A_295 = arith.subi %get3A_288, %sub3A_294 : vector<16xi32>
      %jit3A_296 = arith.constant 5120 : i32
      %broadcast_in_dim3A_297 = vector.broadcast %jit3A_296 : i32 to vector<16xi32>
      %select_n3A_298 = arith.select %and3A_293, %sub3A_295, %broadcast_in_dim3A_297 : vector<16xi1>, vector<16xi32>
      %swap3A_299 = arith.constant 48 : index
      %swap3A_300 = tpu.vector_load %arg8[%swap3A_299] {strides = array<i32>} : memref<128xi32, #tpu.memory_space<vmem>>, vector<16xi32>,
      %swap3A_301 = vector.shape_cast %swap3A_300 : vector<16xi32> to vector<16xi32>
      %swap3A_302 = vector.shape_cast %select_n3A_298 : vector<16xi32> to vector<16xi32>
      tpu.vector_store %arg8[%swap3A_299], %swap3A_302 {strides = array<i32>} : memref<128xi32, #tpu.memory_space<vmem>>, vector<16xi32>,
      %get3A_303 = arith.index_cast %add3A_224 : i32 to index
      %get3A_304 = arith.constant 64 : index
      %get3A_305 = tpu.vector_load %arg7[%get3A_303, %get3A_304] {strides = array<i32>} : memref<158x128xi32, #tpu.memory_space<vmem>>, vector<1x16xi32>,
      %get3A_306 = vector.shape_cast %get3A_305 : vector<1x16xi32> to vector<16xi32>
      %ge3A_307 = vector.broadcast %mul3A_0 : i32 to vector<16xi32>
      %ge3A_308 = arith.cmpi sge, %get3A_306, %ge3A_307 : vector<16xi32>
      %lt3A_309 = vector.broadcast %add3A_3 : i32 to vector<16xi32>
      %lt3A_310 = arith.cmpi slt, %get3A_306, %lt3A_309 : vector<16xi32>
      %and3A_311 = arith.andi %ge3A_308, %lt3A_310 : vector<16xi1>
      %sub3A_312 = vector.broadcast %mul3A_0 : i32 to vector<16xi32>
      %sub3A_313 = arith.subi %get3A_306, %sub3A_312 : vector<16xi32>
      %jit3A_314 = arith.constant 5120 : i32
      %broadcast_in_dim3A_315 = vector.broadcast %jit3A_314 : i32 to vector<16xi32>
      %select_n3A_316 = arith.select %and3A_311, %sub3A_313, %broadcast_in_dim3A_315 : vector<16xi1>, vector<16xi32>
      %swap3A_317 = arith.constant 64 : index
      %swap3A_318 = tpu.vector_load %arg8[%swap3A_317] {strides = array<i32>} : memref<128xi32, #tpu.memory_space<vmem>>, vector<16xi32>,
      %swap3A_319 = vector.shape_cast %swap3A_318 : vector<16xi32> to vector<16xi32>
      %swap3A_320 = vector.shape_cast %select_n3A_316 : vector<16xi32> to vector<16xi32>
      tpu.vector_store %arg8[%swap3A_317], %swap3A_320 {strides = array<i32>} : memref<128xi32, #tpu.memory_space<vmem>>, vector<16xi32>,
      %get3A_321 = arith.index_cast %add3A_224 : i32 to index
      %get3A_322 = arith.constant 80 : index
      %get3A_323 = tpu.vector_load %arg7[%get3A_321, %get3A_322] {strides = array<i32>} : memref<158x128xi32, #tpu.memory_space<vmem>>, vector<1x16xi32>,
      %get3A_324 = vector.shape_cast %get3A_323 : vector<1x16xi32> to vector<16xi32>
      %ge3A_325 = vector.broadcast %mul3A_0 : i32 to vector<16xi32>
      %ge3A_326 = arith.cmpi sge, %get3A_324, %ge3A_325 : vector<16xi32>
      %lt3A_327 = vector.broadcast %add3A_3 : i32 to vector<16xi32>
      %lt3A_328 = arith.cmpi slt, %get3A_324, %lt3A_327 : vector<16xi32>
      %and3A_329 = arith.andi %ge3A_326, %lt3A_328 : vector<16xi1>
      %sub3A_330 = vector.broadcast %mul3A_0 : i32 to vector<16xi32>
      %sub3A_331 = arith.subi %get3A_324, %sub3A_330 : vector<16xi32>
      %jit3A_332 = arith.constant 5120 : i32
      %broadcast_in_dim3A_333 = vector.broadcast %jit3A_332 : i32 to vector<16xi32>
      %select_n3A_334 = arith.select %and3A_329, %sub3A_331, %broadcast_in_dim3A_333 : vector<16xi1>, vector<16xi32>
      %swap3A_335 = arith.constant 80 : index
      %swap3A_336 = tpu.vector_load %arg8[%swap3A_335] {strides = array<i32>} : memref<128xi32, #tpu.memory_space<vmem>>, vector<16xi32>,
      %swap3A_337 = vector.shape_cast %swap3A_336 : vector<16xi32> to vector<16xi32>
      %swap3A_338 = vector.shape_cast %select_n3A_334 : vector<16xi32> to vector<16xi32>
      tpu.vector_store %arg8[%swap3A_335], %swap3A_338 {strides = array<i32>} : memref<128xi32, #tpu.memory_space<vmem>>, vector<16xi32>,
      %get3A_339 = arith.index_cast %add3A_224 : i32 to index
      %get3A_340 = arith.constant 96 : index
      %get3A_341 = tpu.vector_load %arg7[%get3A_339, %get3A_340] {strides = array<i32>} : memref<158x128xi32, #tpu.memory_space<vmem>>, vector<1x16xi32>,
      %get3A_342 = vector.shape_cast %get3A_341 : vector<1x16xi32> to vector<16xi32>
      %ge3A_343 = vector.broadcast %mul3A_0 : i32 to vector<16xi32>
      %ge3A_344 = arith.cmpi sge, %get3A_342, %ge3A_343 : vector<16xi32>
      %lt3A_345 = vector.broadcast %add3A_3 : i32 to vector<16xi32>
      %lt3A_346 = arith.cmpi slt, %get3A_342, %lt3A_345 : vector<16xi32>
      %and3A_347 = arith.andi %ge3A_344, %lt3A_346 : vector<16xi1>
      %sub3A_348 = vector.broadcast %mul3A_0 : i32 to vector<16xi32>
      %sub3A_349 = arith.subi %get3A_342, %sub3A_348 : vector<16xi32>
      %jit3A_350 = arith.constant 5120 : i32
      %broadcast_in_dim3A_351 = vector.broadcast %jit3A_350 : i32 to vector<16xi32>
      %select_n3A_352 = arith.select %and3A_347, %sub3A_349, %broadcast_in_dim3A_351 : vector<16xi1>, vector<16xi32>
      %swap3A_353 = arith.constant 96 : index
      %swap3A_354 = tpu.vector_load %arg8[%swap3A_353] {strides = array<i32>} : memref<128xi32, #tpu.memory_space<vmem>>, vector<16xi32>,
      %swap3A_355 = vector.shape_cast %swap3A_354 : vector<16xi32> to vector<16xi32>
      %swap3A_356 = vector.shape_cast %select_n3A_352 : vector<16xi32> to vector<16xi32>
      tpu.vector_store %arg8[%swap3A_353], %swap3A_356 {strides = array<i32>} : memref<128xi32, #tpu.memory_space<vmem>>, vector<16xi32>,
      %get3A_357 = arith.index_cast %add3A_224 : i32 to index
      %get3A_358 = arith.constant 112 : index
      %get3A_359 = tpu.vector_load %arg7[%get3A_357, %get3A_358] {strides = array<i32>} : memref<158x128xi32, #tpu.memory_space<vmem>>, vector<1x16xi32>,
      %get3A_360 = vector.shape_cast %get3A_359 : vector<1x16xi32> to vector<16xi32>
      %ge3A_361 = vector.broadcast %mul3A_0 : i32 to vector<16xi32>
      %ge3A_362 = arith.cmpi sge, %get3A_360, %ge3A_361 : vector<16xi32>
      %lt3A_363 = vector.broadcast %add3A_3 : i32 to vector<16xi32>
      %lt3A_364 = arith.cmpi slt, %get3A_360, %lt3A_363 : vector<16xi32>
      %and3A_365 = arith.andi %ge3A_362, %lt3A_364 : vector<16xi1>
      %sub3A_366 = vector.broadcast %mul3A_0 : i32 to vector<16xi32>
      %sub3A_367 = arith.subi %get3A_360, %sub3A_366 : vector<16xi32>
      %jit3A_368 = arith.constant 5120 : i32
      %broadcast_in_dim3A_369 = vector.broadcast %jit3A_368 : i32 to vector<16xi32>
      %select_n3A_370 = arith.select %and3A_365, %sub3A_367, %broadcast_in_dim3A_369 : vector<16xi1>, vector<16xi32>
      %swap3A_371 = arith.constant 112 : index
      %swap3A_372 = tpu.vector_load %arg8[%swap3A_371] {strides = array<i32>} : memref<128xi32, #tpu.memory_space<vmem>>, vector<16xi32>,
      %swap3A_373 = vector.shape_cast %swap3A_372 : vector<16xi32> to vector<16xi32>
      %swap3A_374 = vector.shape_cast %select_n3A_370 : vector<16xi32> to vector<16xi32>
      tpu.vector_store %arg8[%swap3A_371], %swap3A_374 {strides = array<i32>} : memref<128xi32, #tpu.memory_space<vmem>>, vector<16xi32>,
      "tpu.region"() ({
        %run_scoped3A = tpu.sem_alloc : memref<!tpu.dma_semaphore, #tpu.memory_space<semaphore_mem>>
        %dma_start3A_375 = arith.constant 0 : i32
        %dma_start3A_376 = arith.constant 0 : i32
        %dma_start3A_377 = tpu.memref_slice %arg11[%dma_start3A_375, %dma_start3A_376] : memref<5136x128xf32, #tpu.memory_space<vmem_shared>> -> memref<5136x128xf32, #tpu.memory_space<vmem_shared>>
        tpu.enqueue_indirect_dma source(%arg10 : memref<128x128xf32, #tpu.memory_space<vmem>>) target(%dma_start3A_377 : memref<5136x128xf32, #tpu.memory_space<vmem_shared>>) offsets(%arg8 : memref<128xi32, #tpu.memory_space<vmem>>) semaphore(%run_scoped3A : memref<!tpu.dma_semaphore, #tpu.memory_space<semaphore_mem>>) {add = true}
        %dma_wait3A_378 = arith.constant 0 : i32
        %dma_wait3A_379 = arith.constant 0 : i32
        %dma_wait3A_380 = tpu.memref_slice %arg11[%dma_wait3A_378, %dma_wait3A_379] : memref<5136x128xf32, #tpu.memory_space<vmem_shared>> -> memref<5136x128xf32, #tpu.memory_space<vmem_shared>>
        tpu.wait_indirect_dma semaphore(%run_scoped3A : memref<!tpu.dma_semaphore, #tpu.memory_space<semaphore_mem>>) src(%arg10 : memref<128x128xf32, #tpu.memory_space<vmem>>) dst(%dma_wait3A_380 : memref<5136x128xf32, #tpu.memory_space<vmem_shared>>)
        tpu.yield
      }) : () -> ()
    }
    %scan3A_33 = arith.constant 79 : i32
    %barrier3A_34 = arith.constant 0 : index
    tpu.barrier barrier_id(%barrier3A_34)
    %mul3A_35 = arith.constant 320 : i32
    %mul3A_36 = arith.muli %arg1, %mul3A_35 : i32
    %add3A_37 = arith.constant 0 : i32
    %add3A_38 = arith.addi %mul3A_36, %add3A_37 : i32
    "tpu.region"() ({
      %run_scoped3A = tpu.sem_alloc : memref<!tpu.dma_semaphore, #tpu.memory_space<semaphore_mem>>
      %dma_start3A_68 = arith.constant 0 : i32
      %dma_start3A_69 = arith.constant 0 : i32
      %dma_start3A_70 = tpu.memref_slice %arg10[%dma_start3A_68, %dma_start3A_69] : memref<128x128xf32, #tpu.memory_space<vmem>> -> memref<128x128xf32, #tpu.memory_space<vmem>>
      %dma_start3A_71 = arith.constant 0 : i32
      %dma_start3A_72 = tpu.memref_slice %arg11[%add3A_38, %dma_start3A_71] : memref<5136x128xf32, #tpu.memory_space<vmem_shared>> -> memref<128x128xf32, #tpu.memory_space<vmem_shared>>
      %dma_start3A_73 = arith.constant 0 : i32
      %dma_start3A_74 = arith.constant 0 : i32
      %dma_start3A_75 = tpu.memref_slice %arg10[%dma_start3A_73, %dma_start3A_74] : memref<128x128xf32, #tpu.memory_space<vmem>> -> memref<128x128xf32, #tpu.memory_space<vmem>>
      %dma_start3A_76 = arith.constant 0 : i32
      %dma_start3A_77 = tpu.memref_slice %arg11[%add3A_38, %dma_start3A_76] : memref<5136x128xf32, #tpu.memory_space<vmem_shared>> -> memref<128x128xf32, #tpu.memory_space<vmem_shared>>
      tpu.enqueue_dma source(%dma_start3A_77 : memref<128x128xf32, #tpu.memory_space<vmem_shared>>) target(%dma_start3A_75 : memref<128x128xf32, #tpu.memory_space<vmem>>) target_semaphore(%run_scoped3A : memref<!tpu.dma_semaphore, #tpu.memory_space<semaphore_mem>>)
      %dma_wait3A = arith.constant 0 : i32
      %dma_wait3A_78 = arith.constant 0 : i32
      %dma_wait3A_79 = tpu.memref_slice %arg10[%dma_wait3A, %dma_wait3A_78] : memref<128x128xf32, #tpu.memory_space<vmem>> -> memref<128x128xf32, #tpu.memory_space<vmem>>
      %dma_wait3A_80 = arith.constant 0 : i32
      %dma_wait3A_81 = tpu.memref_slice %arg11[%add3A_38, %dma_wait3A_80] : memref<5136x128xf32, #tpu.memory_space<vmem_shared>> -> memref<128x128xf32, #tpu.memory_space<vmem_shared>>
      %dma_wait3A_82 = arith.constant 0 : i32
      %dma_wait3A_83 = arith.constant 0 : i32
      %dma_wait3A_84 = tpu.memref_slice %arg10[%dma_wait3A_82, %dma_wait3A_83] : memref<128x128xf32, #tpu.memory_space<vmem>> -> memref<128x128xf32, #tpu.memory_space<vmem>>
      %dma_wait3A_85 = arith.constant 0 : i32
      %dma_wait3A_86 = tpu.memref_slice %arg11[%add3A_38, %dma_wait3A_85] : memref<5136x128xf32, #tpu.memory_space<vmem_shared>> -> memref<128x128xf32, #tpu.memory_space<vmem_shared>>
      tpu.wait_dma2 semaphore(%run_scoped3A : memref<!tpu.dma_semaphore, #tpu.memory_space<semaphore_mem>>) src(%dma_wait3A_86 : memref<128x128xf32, #tpu.memory_space<vmem_shared>>) dst(%dma_wait3A_84 : memref<128x128xf32, #tpu.memory_space<vmem>>)
      tpu.yield
    }) : () -> ()
    %mul3A_39 = arith.constant 5120 : i32
    %mul3A_40 = arith.muli %arg0, %mul3A_39 : i32
    %mul3A_41 = arith.constant 320 : i32
    %mul3A_42 = arith.muli %arg1, %mul3A_41 : i32
    %add3A_43 = arith.addi %mul3A_40, %mul3A_42 : i32
    %add3A_44 = arith.constant 0 : i32
    %add3A_45 = arith.addi %add3A_43, %add3A_44 : i32
    "tpu.region"() ({
      %run_scoped3A = tpu.sem_alloc : memref<!tpu.dma_semaphore, #tpu.memory_space<semaphore_mem>>
      %dma_start3A_68 = arith.constant 0 : i32
      %dma_start3A_69 = arith.constant 0 : i32
      %dma_start3A_70 = tpu.memref_slice %arg10[%dma_start3A_68, %dma_start3A_69] : memref<128x128xf32, #tpu.memory_space<vmem>> -> memref<128x128xf32, #tpu.memory_space<vmem>>
      %dma_start3A_71 = arith.constant 0 : i32
      %dma_start3A_72 = tpu.memref_slice %arg5[%add3A_45, %dma_start3A_71] : memref<10240x128xf32, #tpu.memory_space<hbm>> -> memref<128x128xf32, #tpu.memory_space<hbm>>
      %dma_start3A_73 = arith.constant 0 : i32
      %dma_start3A_74 = tpu.memref_slice %arg5[%add3A_45, %dma_start3A_73] : memref<10240x128xf32, #tpu.memory_space<hbm>> -> memref<128x128xf32, #tpu.memory_space<hbm>>
      %dma_start3A_75 = arith.constant 0 : i32
      %dma_start3A_76 = arith.constant 0 : i32
      %dma_start3A_77 = tpu.memref_slice %arg10[%dma_start3A_75, %dma_start3A_76] : memref<128x128xf32, #tpu.memory_space<vmem>> -> memref<128x128xf32, #tpu.memory_space<vmem>>
      tpu.enqueue_dma source(%dma_start3A_77 : memref<128x128xf32, #tpu.memory_space<vmem>>) target(%dma_start3A_74 : memref<128x128xf32, #tpu.memory_space<hbm>>) target_semaphore(%run_scoped3A : memref<!tpu.dma_semaphore, #tpu.memory_space<semaphore_mem>>)
      %dma_wait3A = arith.constant 0 : i32
      %dma_wait3A_78 = arith.constant 0 : i32
      %dma_wait3A_79 = tpu.memref_slice %arg10[%dma_wait3A, %dma_wait3A_78] : memref<128x128xf32, #tpu.memory_space<vmem>> -> memref<128x128xf32, #tpu.memory_space<vmem>>
      %dma_wait3A_80 = arith.constant 0 : i32
      %dma_wait3A_81 = tpu.memref_slice %arg5[%add3A_45, %dma_wait3A_80] : memref<10240x128xf32, #tpu.memory_space<hbm>> -> memref<128x128xf32, #tpu.memory_space<hbm>>
      %dma_wait3A_82 = arith.constant 0 : i32
      %dma_wait3A_83 = tpu.memref_slice %arg5[%add3A_45, %dma_wait3A_82] : memref<10240x128xf32, #tpu.memory_space<hbm>> -> memref<128x128xf32, #tpu.memory_space<hbm>>
      %dma_wait3A_84 = arith.constant 0 : i32
      %dma_wait3A_85 = arith.constant 0 : i32
      %dma_wait3A_86 = tpu.memref_slice %arg10[%dma_wait3A_84, %dma_wait3A_85] : memref<128x128xf32, #tpu.memory_space<vmem>> -> memref<128x128xf32, #tpu.memory_space<vmem>>
      tpu.wait_dma2 semaphore(%run_scoped3A : memref<!tpu.dma_semaphore, #tpu.memory_space<semaphore_mem>>) src(%dma_wait3A_86 : memref<128x128xf32, #tpu.memory_space<vmem>>) dst(%dma_wait3A_83 : memref<128x128xf32, #tpu.memory_space<hbm>>)
      tpu.yield
    }) : () -> ()
    %mul3A_46 = arith.constant 320 : i32
    %mul3A_47 = arith.muli %arg1, %mul3A_46 : i32
    %add3A_48 = arith.constant 128 : i32
    %add3A_49 = arith.addi %mul3A_47, %add3A_48 : i32
    "tpu.region"() ({
      %run_scoped3A = tpu.sem_alloc : memref<!tpu.dma_semaphore, #tpu.memory_space<semaphore_mem>>
      %dma_start3A_68 = arith.constant 0 : i32
      %dma_start3A_69 = arith.constant 0 : i32
      %dma_start3A_70 = tpu.memref_slice %arg10[%dma_start3A_68, %dma_start3A_69] : memref<128x128xf32, #tpu.memory_space<vmem>> -> memref<128x128xf32, #tpu.memory_space<vmem>>
      %dma_start3A_71 = arith.constant 0 : i32
      %dma_start3A_72 = tpu.memref_slice %arg11[%add3A_49, %dma_start3A_71] : memref<5136x128xf32, #tpu.memory_space<vmem_shared>> -> memref<128x128xf32, #tpu.memory_space<vmem_shared>>
      %dma_start3A_73 = arith.constant 0 : i32
      %dma_start3A_74 = arith.constant 0 : i32
      %dma_start3A_75 = tpu.memref_slice %arg10[%dma_start3A_73, %dma_start3A_74] : memref<128x128xf32, #tpu.memory_space<vmem>> -> memref<128x128xf32, #tpu.memory_space<vmem>>
      %dma_start3A_76 = arith.constant 0 : i32
      %dma_start3A_77 = tpu.memref_slice %arg11[%add3A_49, %dma_start3A_76] : memref<5136x128xf32, #tpu.memory_space<vmem_shared>> -> memref<128x128xf32, #tpu.memory_space<vmem_shared>>
      tpu.enqueue_dma source(%dma_start3A_77 : memref<128x128xf32, #tpu.memory_space<vmem_shared>>) target(%dma_start3A_75 : memref<128x128xf32, #tpu.memory_space<vmem>>) target_semaphore(%run_scoped3A : memref<!tpu.dma_semaphore, #tpu.memory_space<semaphore_mem>>)
      %dma_wait3A = arith.constant 0 : i32
      %dma_wait3A_78 = arith.constant 0 : i32
      %dma_wait3A_79 = tpu.memref_slice %arg10[%dma_wait3A, %dma_wait3A_78] : memref<128x128xf32, #tpu.memory_space<vmem>> -> memref<128x128xf32, #tpu.memory_space<vmem>>
      %dma_wait3A_80 = arith.constant 0 : i32
      %dma_wait3A_81 = tpu.memref_slice %arg11[%add3A_49, %dma_wait3A_80] : memref<5136x128xf32, #tpu.memory_space<vmem_shared>> -> memref<128x128xf32, #tpu.memory_space<vmem_shared>>
      %dma_wait3A_82 = arith.constant 0 : i32
      %dma_wait3A_83 = arith.constant 0 : i32
      %dma_wait3A_84 = tpu.memref_slice %arg10[%dma_wait3A_82, %dma_wait3A_83] : memref<128x128xf32, #tpu.memory_space<vmem>> -> memref<128x128xf32, #tpu.memory_space<vmem>>
      %dma_wait3A_85 = arith.constant 0 : i32
      %dma_wait3A_86 = tpu.memref_slice %arg11[%add3A_49, %dma_wait3A_85] : memref<5136x128xf32, #tpu.memory_space<vmem_shared>> -> memref<128x128xf32, #tpu.memory_space<vmem_shared>>
      tpu.wait_dma2 semaphore(%run_scoped3A : memref<!tpu.dma_semaphore, #tpu.memory_space<semaphore_mem>>) src(%dma_wait3A_86 : memref<128x128xf32, #tpu.memory_space<vmem_shared>>) dst(%dma_wait3A_84 : memref<128x128xf32, #tpu.memory_space<vmem>>)
      tpu.yield
    }) : () -> ()
    %mul3A_50 = arith.constant 5120 : i32
    %mul3A_51 = arith.muli %arg0, %mul3A_50 : i32
    %mul3A_52 = arith.constant 320 : i32
    %mul3A_53 = arith.muli %arg1, %mul3A_52 : i32
    %add3A_54 = arith.addi %mul3A_51, %mul3A_53 : i32
    %add3A_55 = arith.constant 128 : i32
    %add3A_56 = arith.addi %add3A_54, %add3A_55 : i32
    "tpu.region"() ({
      %run_scoped3A = tpu.sem_alloc : memref<!tpu.dma_semaphore, #tpu.memory_space<semaphore_mem>>
      %dma_start3A_68 = arith.constant 0 : i32
      %dma_start3A_69 = arith.constant 0 : i32
      %dma_start3A_70 = tpu.memref_slice %arg10[%dma_start3A_68, %dma_start3A_69] : memref<128x128xf32, #tpu.memory_space<vmem>> -> memref<128x128xf32, #tpu.memory_space<vmem>>
      %dma_start3A_71 = arith.constant 0 : i32
      %dma_start3A_72 = tpu.memref_slice %arg5[%add3A_56, %dma_start3A_71] : memref<10240x128xf32, #tpu.memory_space<hbm>> -> memref<128x128xf32, #tpu.memory_space<hbm>>
      %dma_start3A_73 = arith.constant 0 : i32
      %dma_start3A_74 = tpu.memref_slice %arg5[%add3A_56, %dma_start3A_73] : memref<10240x128xf32, #tpu.memory_space<hbm>> -> memref<128x128xf32, #tpu.memory_space<hbm>>
      %dma_start3A_75 = arith.constant 0 : i32
      %dma_start3A_76 = arith.constant 0 : i32
      %dma_start3A_77 = tpu.memref_slice %arg10[%dma_start3A_75, %dma_start3A_76] : memref<128x128xf32, #tpu.memory_space<vmem>> -> memref<128x128xf32, #tpu.memory_space<vmem>>
      tpu.enqueue_dma source(%dma_start3A_77 : memref<128x128xf32, #tpu.memory_space<vmem>>) target(%dma_start3A_74 : memref<128x128xf32, #tpu.memory_space<hbm>>) target_semaphore(%run_scoped3A : memref<!tpu.dma_semaphore, #tpu.memory_space<semaphore_mem>>)
      %dma_wait3A = arith.constant 0 : i32
      %dma_wait3A_78 = arith.constant 0 : i32
      %dma_wait3A_79 = tpu.memref_slice %arg10[%dma_wait3A, %dma_wait3A_78] : memref<128x128xf32, #tpu.memory_space<vmem>> -> memref<128x128xf32, #tpu.memory_space<vmem>>
      %dma_wait3A_80 = arith.constant 0 : i32
      %dma_wait3A_81 = tpu.memref_slice %arg5[%add3A_56, %dma_wait3A_80] : memref<10240x128xf32, #tpu.memory_space<hbm>> -> memref<128x128xf32, #tpu.memory_space<hbm>>
      %dma_wait3A_82 = arith.constant 0 : i32
      %dma_wait3A_83 = tpu.memref_slice %arg5[%add3A_56, %dma_wait3A_82] : memref<10240x128xf32, #tpu.memory_space<hbm>> -> memref<128x128xf32, #tpu.memory_space<hbm>>
      %dma_wait3A_84 = arith.constant 0 : i32
      %dma_wait3A_85 = arith.constant 0 : i32
      %dma_wait3A_86 = tpu.memref_slice %arg10[%dma_wait3A_84, %dma_wait3A_85] : memref<128x128xf32, #tpu.memory_space<vmem>> -> memref<128x128xf32, #tpu.memory_space<vmem>>
      tpu.wait_dma2 semaphore(%run_scoped3A : memref<!tpu.dma_semaphore, #tpu.memory_space<semaphore_mem>>) src(%dma_wait3A_86 : memref<128x128xf32, #tpu.memory_space<vmem>>) dst(%dma_wait3A_83 : memref<128x128xf32, #tpu.memory_space<hbm>>)
      tpu.yield
    }) : () -> ()
    %mul3A_57 = arith.constant 320 : i32
    %mul3A_58 = arith.muli %arg1, %mul3A_57 : i32
    %add3A_59 = arith.constant 256 : i32
    %add3A_60 = arith.addi %mul3A_58, %add3A_59 : i32
    "tpu.region"() ({
      %run_scoped3A = tpu.sem_alloc : memref<!tpu.dma_semaphore, #tpu.memory_space<semaphore_mem>>
      %dma_start3A_68 = arith.constant 0 : i32
      %dma_start3A_69 = arith.constant 0 : i32
      %dma_start3A_70 = tpu.memref_slice %arg10[%dma_start3A_68, %dma_start3A_69] : memref<128x128xf32, #tpu.memory_space<vmem>> -> memref<64x128xf32, #tpu.memory_space<vmem>>
      %dma_start3A_71 = arith.constant 0 : i32
      %dma_start3A_72 = tpu.memref_slice %arg11[%add3A_60, %dma_start3A_71] : memref<5136x128xf32, #tpu.memory_space<vmem_shared>> -> memref<64x128xf32, #tpu.memory_space<vmem_shared>>
      %dma_start3A_73 = arith.constant 0 : i32
      %dma_start3A_74 = arith.constant 0 : i32
      %dma_start3A_75 = tpu.memref_slice %arg10[%dma_start3A_73, %dma_start3A_74] : memref<128x128xf32, #tpu.memory_space<vmem>> -> memref<64x128xf32, #tpu.memory_space<vmem>>
      %dma_start3A_76 = arith.constant 0 : i32
      %dma_start3A_77 = tpu.memref_slice %arg11[%add3A_60, %dma_start3A_76] : memref<5136x128xf32, #tpu.memory_space<vmem_shared>> -> memref<64x128xf32, #tpu.memory_space<vmem_shared>>
      tpu.enqueue_dma source(%dma_start3A_77 : memref<64x128xf32, #tpu.memory_space<vmem_shared>>) target(%dma_start3A_75 : memref<64x128xf32, #tpu.memory_space<vmem>>) target_semaphore(%run_scoped3A : memref<!tpu.dma_semaphore, #tpu.memory_space<semaphore_mem>>)
      %dma_wait3A = arith.constant 0 : i32
      %dma_wait3A_78 = arith.constant 0 : i32
      %dma_wait3A_79 = tpu.memref_slice %arg10[%dma_wait3A, %dma_wait3A_78] : memref<128x128xf32, #tpu.memory_space<vmem>> -> memref<64x128xf32, #tpu.memory_space<vmem>>
      %dma_wait3A_80 = arith.constant 0 : i32
      %dma_wait3A_81 = tpu.memref_slice %arg11[%add3A_60, %dma_wait3A_80] : memref<5136x128xf32, #tpu.memory_space<vmem_shared>> -> memref<64x128xf32, #tpu.memory_space<vmem_shared>>
      %dma_wait3A_82 = arith.constant 0 : i32
      %dma_wait3A_83 = arith.constant 0 : i32
      %dma_wait3A_84 = tpu.memref_slice %arg10[%dma_wait3A_82, %dma_wait3A_83] : memref<128x128xf32, #tpu.memory_space<vmem>> -> memref<64x128xf32, #tpu.memory_space<vmem>>
      %dma_wait3A_85 = arith.constant 0 : i32
      %dma_wait3A_86 = tpu.memref_slice %arg11[%add3A_60, %dma_wait3A_85] : memref<5136x128xf32, #tpu.memory_space<vmem_shared>> -> memref<64x128xf32, #tpu.memory_space<vmem_shared>>
      tpu.wait_dma2 semaphore(%run_scoped3A : memref<!tpu.dma_semaphore, #tpu.memory_space<semaphore_mem>>) src(%dma_wait3A_86 : memref<64x128xf32, #tpu.memory_space<vmem_shared>>) dst(%dma_wait3A_84 : memref<64x128xf32, #tpu.memory_space<vmem>>)
      tpu.yield
    }) : () -> ()
    %mul3A_61 = arith.constant 5120 : i32
    %mul3A_62 = arith.muli %arg0, %mul3A_61 : i32
    %mul3A_63 = arith.constant 320 : i32
    %mul3A_64 = arith.muli %arg1, %mul3A_63 : i32
    %add3A_65 = arith.addi %mul3A_62, %mul3A_64 : i32
    %add3A_66 = arith.constant 256 : i32
    %add3A_67 = arith.addi %add3A_65, %add3A_66 : i32
    "tpu.region"() ({
      %run_scoped3A = tpu.sem_alloc : memref<!tpu.dma_semaphore, #tpu.memory_space<semaphore_mem>>
      %dma_start3A_68 = arith.constant 0 : i32
      %dma_start3A_69 = arith.constant 0 : i32
      %dma_start3A_70 = tpu.memref_slice %arg10[%dma_start3A_68, %dma_start3A_69] : memref<128x128xf32, #tpu.memory_space<vmem>> -> memref<64x128xf32, #tpu.memory_space<vmem>>
      %dma_start3A_71 = arith.constant 0 : i32
      %dma_start3A_72 = tpu.memref_slice %arg5[%add3A_67, %dma_start3A_71] : memref<10240x128xf32, #tpu.memory_space<hbm>> -> memref<64x128xf32, #tpu.memory_space<hbm>>
      %dma_start3A_73 = arith.constant 0 : i32
      %dma_start3A_74 = tpu.memref_slice %arg5[%add3A_67, %dma_start3A_73] : memref<10240x128xf32, #tpu.memory_space<hbm>> -> memref<64x128xf32, #tpu.memory_space<hbm>>
      %dma_start3A_75 = arith.constant 0 : i32
      %dma_start3A_76 = arith.constant 0 : i32
      %dma_start3A_77 = tpu.memref_slice %arg10[%dma_start3A_75, %dma_start3A_76] : memref<128x128xf32, #tpu.memory_space<vmem>> -> memref<64x128xf32, #tpu.memory_space<vmem>>
      tpu.enqueue_dma source(%dma_start3A_77 : memref<64x128xf32, #tpu.memory_space<vmem>>) target(%dma_start3A_74 : memref<64x128xf32, #tpu.memory_space<hbm>>) target_semaphore(%run_scoped3A : memref<!tpu.dma_semaphore, #tpu.memory_space<semaphore_mem>>)
      %dma_wait3A = arith.constant 0 : i32
      %dma_wait3A_78 = arith.constant 0 : i32
      %dma_wait3A_79 = tpu.memref_slice %arg10[%dma_wait3A, %dma_wait3A_78] : memref<128x128xf32, #tpu.memory_space<vmem>> -> memref<64x128xf32, #tpu.memory_space<vmem>>
      %dma_wait3A_80 = arith.constant 0 : i32
      %dma_wait3A_81 = tpu.memref_slice %arg5[%add3A_67, %dma_wait3A_80] : memref<10240x128xf32, #tpu.memory_space<hbm>> -> memref<64x128xf32, #tpu.memory_space<hbm>>
      %dma_wait3A_82 = arith.constant 0 : i32
      %dma_wait3A_83 = tpu.memref_slice %arg5[%add3A_67, %dma_wait3A_82] : memref<10240x128xf32, #tpu.memory_space<hbm>> -> memref<64x128xf32, #tpu.memory_space<hbm>>
      %dma_wait3A_84 = arith.constant 0 : i32
      %dma_wait3A_85 = arith.constant 0 : i32
      %dma_wait3A_86 = tpu.memref_slice %arg10[%dma_wait3A_84, %dma_wait3A_85] : memref<128x128xf32, #tpu.memory_space<vmem>> -> memref<64x128xf32, #tpu.memory_space<vmem>>
      tpu.wait_dma2 semaphore(%run_scoped3A : memref<!tpu.dma_semaphore, #tpu.memory_space<semaphore_mem>>) src(%dma_wait3A_86 : memref<64x128xf32, #tpu.memory_space<vmem>>) dst(%dma_wait3A_83 : memref<64x128xf32, #tpu.memory_space<hbm>>)
      tpu.yield
    }) : () -> ()
    return
  }
}

#map = affine_map<(d0, d1) -> (0, 0, 0)>
#map1 = affine_map<(d0, d1) -> (0, 0)>
module attributes {stable_mosaic.version = 14 : i64} {
  func.func @prep(%arg0: i32, %arg1: i32, %arg2: memref<32x8x128xi32, #tpu.memory_space<hbm>>, %arg3: memref<1000x128xf32, #tpu.memory_space<hbm>>, %arg4: memref<10240x128xf32, #tpu.memory_space<hbm>>, %arg5: memref<8x128xi32, #tpu.memory_space<vmem>>, %arg6: memref<128x128xf32, #tpu.memory_space<vmem>>, %arg7: memref<!tpu.dma_semaphore, #tpu.memory_space<semaphore_mem>>) attributes {dimension_semantics = [#tpu.dimension_semantics<core_parallel>, #tpu.dimension_semantics<subcore_parallel>], iteration_bounds = array<i64: 2, 16>, scalar_prefetch = 0 : i64, scratch_operands = 3 : i64, tpu.core_type = #tpu.core_type<sc_vector_subcore>, window_params = [{transform_indices = #map}, {transform_indices = #map1}, {transform_indices = #map1}]} {
    %mul3A = arith.constant 16 : i32
    %mul3A_0 = arith.muli %arg0, %mul3A : i32
    %add3A = arith.addi %mul3A_0, %arg1 : i32
    "tpu.region"() ({
      %run_scoped3A = tpu.sem_alloc : memref<!tpu.dma_semaphore, #tpu.memory_space<semaphore_mem>>
      %dma_start3A_53 = arith.constant 0 : i32
      %dma_start3A_54 = arith.constant 0 : i32
      %dma_start3A_55 = tpu.memref_slice %arg2[%add3A, %dma_start3A_53, %dma_start3A_54] : memref<32x8x128xi32, #tpu.memory_space<hbm>> -> memref<1x8x128xi32, #tpu.memory_space<hbm>>
      %dma_start3A_56 = tpu.memref_squeeze %dma_start3A_55 : memref<1x8x128xi32, #tpu.memory_space<hbm>> -> memref<8x128xi32, #tpu.memory_space<hbm>>
      %dma_start3A_57 = arith.constant 0 : i32
      %dma_start3A_58 = arith.constant 0 : i32
      %dma_start3A_59 = tpu.memref_slice %arg2[%add3A, %dma_start3A_57, %dma_start3A_58] : memref<32x8x128xi32, #tpu.memory_space<hbm>> -> memref<1x8x128xi32, #tpu.memory_space<hbm>>
      %dma_start3A_60 = tpu.memref_squeeze %dma_start3A_59 : memref<1x8x128xi32, #tpu.memory_space<hbm>> -> memref<8x128xi32, #tpu.memory_space<hbm>>
      tpu.enqueue_dma source(%dma_start3A_60 : memref<8x128xi32, #tpu.memory_space<hbm>>) target(%arg5 : memref<8x128xi32, #tpu.memory_space<vmem>>) target_semaphore(%run_scoped3A : memref<!tpu.dma_semaphore, #tpu.memory_space<semaphore_mem>>)
      %dma_wait3A_61 = arith.constant 0 : i32
      %dma_wait3A_62 = arith.constant 0 : i32
      %dma_wait3A_63 = tpu.memref_slice %arg2[%add3A, %dma_wait3A_61, %dma_wait3A_62] : memref<32x8x128xi32, #tpu.memory_space<hbm>> -> memref<1x8x128xi32, #tpu.memory_space<hbm>>
      %dma_wait3A_64 = tpu.memref_squeeze %dma_wait3A_63 : memref<1x8x128xi32, #tpu.memory_space<hbm>> -> memref<8x128xi32, #tpu.memory_space<hbm>>
      %dma_wait3A_65 = arith.constant 0 : i32
      %dma_wait3A_66 = arith.constant 0 : i32
      %dma_wait3A_67 = tpu.memref_slice %arg2[%add3A, %dma_wait3A_65, %dma_wait3A_66] : memref<32x8x128xi32, #tpu.memory_space<hbm>> -> memref<1x8x128xi32, #tpu.memory_space<hbm>>
      %dma_wait3A_68 = tpu.memref_squeeze %dma_wait3A_67 : memref<1x8x128xi32, #tpu.memory_space<hbm>> -> memref<8x128xi32, #tpu.memory_space<hbm>>
      tpu.wait_dma2 semaphore(%run_scoped3A : memref<!tpu.dma_semaphore, #tpu.memory_space<semaphore_mem>>) src(%dma_wait3A_68 : memref<8x128xi32, #tpu.memory_space<hbm>>) dst(%arg5 : memref<8x128xi32, #tpu.memory_space<vmem>>)
      tpu.yield
    }) : () -> ()
    %dma_start3A = arith.constant 0 : i32
    %dma_start3A_1 = arith.constant 0 : i32
    %dma_start3A_2 = tpu.memref_slice %arg5[%dma_start3A, %dma_start3A_1] : memref<8x128xi32, #tpu.memory_space<vmem>> -> memref<1x128xi32, #tpu.memory_space<vmem>>
    %dma_start3A_3 = tpu.memref_squeeze %dma_start3A_2 : memref<1x128xi32, #tpu.memory_space<vmem>> -> memref<128xi32, #tpu.memory_space<vmem>>
    %dma_start3A_4 = arith.constant 0 : i32
    %dma_start3A_5 = arith.constant 0 : i32
    %dma_start3A_6 = tpu.memref_slice %arg3[%dma_start3A_4, %dma_start3A_5] : memref<1000x128xf32, #tpu.memory_space<hbm>> -> memref<1000x128xf32, #tpu.memory_space<hbm>>
    tpu.enqueue_indirect_dma source(%dma_start3A_6 : memref<1000x128xf32, #tpu.memory_space<hbm>>) target(%arg6 : memref<128x128xf32, #tpu.memory_space<vmem>>) offsets(%dma_start3A_3 : memref<128xi32, #tpu.memory_space<vmem>>) semaphore(%arg7 : memref<!tpu.dma_semaphore, #tpu.memory_space<semaphore_mem>>)
    %dma_wait3A = arith.constant 0 : i32
    %dma_wait3A_7 = arith.constant 0 : i32
    %dma_wait3A_8 = tpu.memref_slice %arg5[%dma_wait3A, %dma_wait3A_7] : memref<8x128xi32, #tpu.memory_space<vmem>> -> memref<1x128xi32, #tpu.memory_space<vmem>>
    %dma_wait3A_9 = tpu.memref_squeeze %dma_wait3A_8 : memref<1x128xi32, #tpu.memory_space<vmem>> -> memref<128xi32, #tpu.memory_space<vmem>>
    %dma_wait3A_10 = arith.constant 0 : i32
    %dma_wait3A_11 = arith.constant 0 : i32
    %dma_wait3A_12 = tpu.memref_slice %arg3[%dma_wait3A_10, %dma_wait3A_11] : memref<1000x128xf32, #tpu.memory_space<hbm>> -> memref<1000x128xf32, #tpu.memory_space<hbm>>
    tpu.wait_indirect_dma semaphore(%arg7 : memref<!tpu.dma_semaphore, #tpu.memory_space<semaphore_mem>>) src(%dma_wait3A_12 : memref<1000x128xf32, #tpu.memory_space<hbm>>) dst(%arg6 : memref<128x128xf32, #tpu.memory_space<vmem>>)
    %mul3A_13 = arith.constant 320 : i32
    %mul3A_14 = arith.muli %add3A, %mul3A_13 : i32
    %add3A_15 = arith.constant 0 : i32
    %add3A_16 = arith.addi %mul3A_14, %add3A_15 : i32
    "tpu.region"() ({
      %run_scoped3A = tpu.sem_alloc : memref<!tpu.dma_semaphore, #tpu.memory_space<semaphore_mem>>
      %dma_start3A_53 = arith.constant 0 : i32
      %dma_start3A_54 = arith.constant 0 : i32
      %dma_start3A_55 = tpu.memref_slice %arg6[%dma_start3A_53, %dma_start3A_54] : memref<128x128xf32, #tpu.memory_space<vmem>> -> memref<128x128xf32, #tpu.memory_space<vmem>>
      %dma_start3A_56 = arith.constant 0 : i32
      %dma_start3A_57 = tpu.memref_slice %arg4[%add3A_16, %dma_start3A_56] : memref<10240x128xf32, #tpu.memory_space<hbm>> -> memref<128x128xf32, #tpu.memory_space<hbm>>
      %dma_start3A_58 = arith.constant 0 : i32
      %dma_start3A_59 = tpu.memref_slice %arg4[%add3A_16, %dma_start3A_58] : memref<10240x128xf32, #tpu.memory_space<hbm>> -> memref<128x128xf32, #tpu.memory_space<hbm>>
      %dma_start3A_60 = arith.constant 0 : i32
      %dma_start3A_61 = arith.constant 0 : i32
      %dma_start3A_62 = tpu.memref_slice %arg6[%dma_start3A_60, %dma_start3A_61] : memref<128x128xf32, #tpu.memory_space<vmem>> -> memref<128x128xf32, #tpu.memory_space<vmem>>
      tpu.enqueue_dma source(%dma_start3A_62 : memref<128x128xf32, #tpu.memory_space<vmem>>) target(%dma_start3A_59 : memref<128x128xf32, #tpu.memory_space<hbm>>) target_semaphore(%run_scoped3A : memref<!tpu.dma_semaphore, #tpu.memory_space<semaphore_mem>>)
      %dma_wait3A_63 = arith.constant 0 : i32
      %dma_wait3A_64 = arith.constant 0 : i32
      %dma_wait3A_65 = tpu.memref_slice %arg6[%dma_wait3A_63, %dma_wait3A_64] : memref<128x128xf32, #tpu.memory_space<vmem>> -> memref<128x128xf32, #tpu.memory_space<vmem>>
      %dma_wait3A_66 = arith.constant 0 : i32
      %dma_wait3A_67 = tpu.memref_slice %arg4[%add3A_16, %dma_wait3A_66] : memref<10240x128xf32, #tpu.memory_space<hbm>> -> memref<128x128xf32, #tpu.memory_space<hbm>>
      %dma_wait3A_68 = arith.constant 0 : i32
      %dma_wait3A_69 = tpu.memref_slice %arg4[%add3A_16, %dma_wait3A_68] : memref<10240x128xf32, #tpu.memory_space<hbm>> -> memref<128x128xf32, #tpu.memory_space<hbm>>
      %dma_wait3A_70 = arith.constant 0 : i32
      %dma_wait3A_71 = arith.constant 0 : i32
      %dma_wait3A_72 = tpu.memref_slice %arg6[%dma_wait3A_70, %dma_wait3A_71] : memref<128x128xf32, #tpu.memory_space<vmem>> -> memref<128x128xf32, #tpu.memory_space<vmem>>
      tpu.wait_dma2 semaphore(%run_scoped3A : memref<!tpu.dma_semaphore, #tpu.memory_space<semaphore_mem>>) src(%dma_wait3A_72 : memref<128x128xf32, #tpu.memory_space<vmem>>) dst(%dma_wait3A_69 : memref<128x128xf32, #tpu.memory_space<hbm>>)
      tpu.yield
    }) : () -> ()
    %dma_start3A_17 = arith.constant 1 : i32
    %dma_start3A_18 = arith.constant 0 : i32
    %dma_start3A_19 = tpu.memref_slice %arg5[%dma_start3A_17, %dma_start3A_18] : memref<8x128xi32, #tpu.memory_space<vmem>> -> memref<1x128xi32, #tpu.memory_space<vmem>>
    %dma_start3A_20 = tpu.memref_squeeze %dma_start3A_19 : memref<1x128xi32, #tpu.memory_space<vmem>> -> memref<128xi32, #tpu.memory_space<vmem>>
    %dma_start3A_21 = arith.constant 0 : i32
    %dma_start3A_22 = arith.constant 0 : i32
    %dma_start3A_23 = tpu.memref_slice %arg3[%dma_start3A_21, %dma_start3A_22] : memref<1000x128xf32, #tpu.memory_space<hbm>> -> memref<1000x128xf32, #tpu.memory_space<hbm>>
    tpu.enqueue_indirect_dma source(%dma_start3A_23 : memref<1000x128xf32, #tpu.memory_space<hbm>>) target(%arg6 : memref<128x128xf32, #tpu.memory_space<vmem>>) offsets(%dma_start3A_20 : memref<128xi32, #tpu.memory_space<vmem>>) semaphore(%arg7 : memref<!tpu.dma_semaphore, #tpu.memory_space<semaphore_mem>>)
    %dma_wait3A_24 = arith.constant 1 : i32
    %dma_wait3A_25 = arith.constant 0 : i32
    %dma_wait3A_26 = tpu.memref_slice %arg5[%dma_wait3A_24, %dma_wait3A_25] : memref<8x128xi32, #tpu.memory_space<vmem>> -> memref<1x128xi32, #tpu.memory_space<vmem>>
    %dma_wait3A_27 = tpu.memref_squeeze %dma_wait3A_26 : memref<1x128xi32, #tpu.memory_space<vmem>> -> memref<128xi32, #tpu.memory_space<vmem>>
    %dma_wait3A_28 = arith.constant 0 : i32
    %dma_wait3A_29 = arith.constant 0 : i32
    %dma_wait3A_30 = tpu.memref_slice %arg3[%dma_wait3A_28, %dma_wait3A_29] : memref<1000x128xf32, #tpu.memory_space<hbm>> -> memref<1000x128xf32, #tpu.memory_space<hbm>>
    tpu.wait_indirect_dma semaphore(%arg7 : memref<!tpu.dma_semaphore, #tpu.memory_space<semaphore_mem>>) src(%dma_wait3A_30 : memref<1000x128xf32, #tpu.memory_space<hbm>>) dst(%arg6 : memref<128x128xf32, #tpu.memory_space<vmem>>)
    %mul3A_31 = arith.constant 320 : i32
    %mul3A_32 = arith.muli %add3A, %mul3A_31 : i32
    %add3A_33 = arith.constant 128 : i32
    %add3A_34 = arith.addi %mul3A_32, %add3A_33 : i32
    "tpu.region"() ({
      %run_scoped3A = tpu.sem_alloc : memref<!tpu.dma_semaphore, #tpu.memory_space<semaphore_mem>>
      %dma_start3A_53 = arith.constant 0 : i32
      %dma_start3A_54 = arith.constant 0 : i32
      %dma_start3A_55 = tpu.memref_slice %arg6[%dma_start3A_53, %dma_start3A_54] : memref<128x128xf32, #tpu.memory_space<vmem>> -> memref<128x128xf32, #tpu.memory_space<vmem>>
      %dma_start3A_56 = arith.constant 0 : i32
      %dma_start3A_57 = tpu.memref_slice %arg4[%add3A_34, %dma_start3A_56] : memref<10240x128xf32, #tpu.memory_space<hbm>> -> memref<128x128xf32, #tpu.memory_space<hbm>>
      %dma_start3A_58 = arith.constant 0 : i32
      %dma_start3A_59 = tpu.memref_slice %arg4[%add3A_34, %dma_start3A_58] : memref<10240x128xf32, #tpu.memory_space<hbm>> -> memref<128x128xf32, #tpu.memory_space<hbm>>
      %dma_start3A_60 = arith.constant 0 : i32
      %dma_start3A_61 = arith.constant 0 : i32
      %dma_start3A_62 = tpu.memref_slice %arg6[%dma_start3A_60, %dma_start3A_61] : memref<128x128xf32, #tpu.memory_space<vmem>> -> memref<128x128xf32, #tpu.memory_space<vmem>>
      tpu.enqueue_dma source(%dma_start3A_62 : memref<128x128xf32, #tpu.memory_space<vmem>>) target(%dma_start3A_59 : memref<128x128xf32, #tpu.memory_space<hbm>>) target_semaphore(%run_scoped3A : memref<!tpu.dma_semaphore, #tpu.memory_space<semaphore_mem>>)
      %dma_wait3A_63 = arith.constant 0 : i32
      %dma_wait3A_64 = arith.constant 0 : i32
      %dma_wait3A_65 = tpu.memref_slice %arg6[%dma_wait3A_63, %dma_wait3A_64] : memref<128x128xf32, #tpu.memory_space<vmem>> -> memref<128x128xf32, #tpu.memory_space<vmem>>
      %dma_wait3A_66 = arith.constant 0 : i32
      %dma_wait3A_67 = tpu.memref_slice %arg4[%add3A_34, %dma_wait3A_66] : memref<10240x128xf32, #tpu.memory_space<hbm>> -> memref<128x128xf32, #tpu.memory_space<hbm>>
      %dma_wait3A_68 = arith.constant 0 : i32
      %dma_wait3A_69 = tpu.memref_slice %arg4[%add3A_34, %dma_wait3A_68] : memref<10240x128xf32, #tpu.memory_space<hbm>> -> memref<128x128xf32, #tpu.memory_space<hbm>>
      %dma_wait3A_70 = arith.constant 0 : i32
      %dma_wait3A_71 = arith.constant 0 : i32
      %dma_wait3A_72 = tpu.memref_slice %arg6[%dma_wait3A_70, %dma_wait3A_71] : memref<128x128xf32, #tpu.memory_space<vmem>> -> memref<128x128xf32, #tpu.memory_space<vmem>>
      tpu.wait_dma2 semaphore(%run_scoped3A : memref<!tpu.dma_semaphore, #tpu.memory_space<semaphore_mem>>) src(%dma_wait3A_72 : memref<128x128xf32, #tpu.memory_space<vmem>>) dst(%dma_wait3A_69 : memref<128x128xf32, #tpu.memory_space<hbm>>)
      tpu.yield
    }) : () -> ()
    %dma_start3A_35 = arith.constant 2 : i32
    %dma_start3A_36 = arith.constant 0 : i32
    %dma_start3A_37 = tpu.memref_slice %arg5[%dma_start3A_35, %dma_start3A_36] : memref<8x128xi32, #tpu.memory_space<vmem>> -> memref<1x128xi32, #tpu.memory_space<vmem>>
    %dma_start3A_38 = tpu.memref_squeeze %dma_start3A_37 : memref<1x128xi32, #tpu.memory_space<vmem>> -> memref<128xi32, #tpu.memory_space<vmem>>
    %dma_start3A_39 = arith.constant 0 : i32
    %dma_start3A_40 = arith.constant 0 : i32
    %dma_start3A_41 = tpu.memref_slice %arg3[%dma_start3A_39, %dma_start3A_40] : memref<1000x128xf32, #tpu.memory_space<hbm>> -> memref<1000x128xf32, #tpu.memory_space<hbm>>
    tpu.enqueue_indirect_dma source(%dma_start3A_41 : memref<1000x128xf32, #tpu.memory_space<hbm>>) target(%arg6 : memref<128x128xf32, #tpu.memory_space<vmem>>) offsets(%dma_start3A_38 : memref<128xi32, #tpu.memory_space<vmem>>) semaphore(%arg7 : memref<!tpu.dma_semaphore, #tpu.memory_space<semaphore_mem>>)
    %dma_wait3A_42 = arith.constant 2 : i32
    %dma_wait3A_43 = arith.constant 0 : i32
    %dma_wait3A_44 = tpu.memref_slice %arg5[%dma_wait3A_42, %dma_wait3A_43] : memref<8x128xi32, #tpu.memory_space<vmem>> -> memref<1x128xi32, #tpu.memory_space<vmem>>
    %dma_wait3A_45 = tpu.memref_squeeze %dma_wait3A_44 : memref<1x128xi32, #tpu.memory_space<vmem>> -> memref<128xi32, #tpu.memory_space<vmem>>
    %dma_wait3A_46 = arith.constant 0 : i32
    %dma_wait3A_47 = arith.constant 0 : i32
    %dma_wait3A_48 = tpu.memref_slice %arg3[%dma_wait3A_46, %dma_wait3A_47] : memref<1000x128xf32, #tpu.memory_space<hbm>> -> memref<1000x128xf32, #tpu.memory_space<hbm>>
    tpu.wait_indirect_dma semaphore(%arg7 : memref<!tpu.dma_semaphore, #tpu.memory_space<semaphore_mem>>) src(%dma_wait3A_48 : memref<1000x128xf32, #tpu.memory_space<hbm>>) dst(%arg6 : memref<128x128xf32, #tpu.memory_space<vmem>>)
    %mul3A_49 = arith.constant 320 : i32
    %mul3A_50 = arith.muli %add3A, %mul3A_49 : i32
    %add3A_51 = arith.constant 256 : i32
    %add3A_52 = arith.addi %mul3A_50, %add3A_51 : i32
    "tpu.region"() ({
      %run_scoped3A = tpu.sem_alloc : memref<!tpu.dma_semaphore, #tpu.memory_space<semaphore_mem>>
      %dma_start3A_53 = arith.constant 0 : i32
      %dma_start3A_54 = arith.constant 0 : i32
      %dma_start3A_55 = tpu.memref_slice %arg6[%dma_start3A_53, %dma_start3A_54] : memref<128x128xf32, #tpu.memory_space<vmem>> -> memref<64x128xf32, #tpu.memory_space<vmem>>
      %dma_start3A_56 = arith.constant 0 : i32
      %dma_start3A_57 = tpu.memref_slice %arg4[%add3A_52, %dma_start3A_56] : memref<10240x128xf32, #tpu.memory_space<hbm>> -> memref<64x128xf32, #tpu.memory_space<hbm>>
      %dma_start3A_58 = arith.constant 0 : i32
      %dma_start3A_59 = tpu.memref_slice %arg4[%add3A_52, %dma_start3A_58] : memref<10240x128xf32, #tpu.memory_space<hbm>> -> memref<64x128xf32, #tpu.memory_space<hbm>>
      %dma_start3A_60 = arith.constant 0 : i32
      %dma_start3A_61 = arith.constant 0 : i32
      %dma_start3A_62 = tpu.memref_slice %arg6[%dma_start3A_60, %dma_start3A_61] : memref<128x128xf32, #tpu.memory_space<vmem>> -> memref<64x128xf32, #tpu.memory_space<vmem>>
      tpu.enqueue_dma source(%dma_start3A_62 : memref<64x128xf32, #tpu.memory_space<vmem>>) target(%dma_start3A_59 : memref<64x128xf32, #tpu.memory_space<hbm>>) target_semaphore(%run_scoped3A : memref<!tpu.dma_semaphore, #tpu.memory_space<semaphore_mem>>)
      %dma_wait3A_63 = arith.constant 0 : i32
      %dma_wait3A_64 = arith.constant 0 : i32
      %dma_wait3A_65 = tpu.memref_slice %arg6[%dma_wait3A_63, %dma_wait3A_64] : memref<128x128xf32, #tpu.memory_space<vmem>> -> memref<64x128xf32, #tpu.memory_space<vmem>>
      %dma_wait3A_66 = arith.constant 0 : i32
      %dma_wait3A_67 = tpu.memref_slice %arg4[%add3A_52, %dma_wait3A_66] : memref<10240x128xf32, #tpu.memory_space<hbm>> -> memref<64x128xf32, #tpu.memory_space<hbm>>
      %dma_wait3A_68 = arith.constant 0 : i32
      %dma_wait3A_69 = tpu.memref_slice %arg4[%add3A_52, %dma_wait3A_68] : memref<10240x128xf32, #tpu.memory_space<hbm>> -> memref<64x128xf32, #tpu.memory_space<hbm>>
      %dma_wait3A_70 = arith.constant 0 : i32
      %dma_wait3A_71 = arith.constant 0 : i32
      %dma_wait3A_72 = tpu.memref_slice %arg6[%dma_wait3A_70, %dma_wait3A_71] : memref<128x128xf32, #tpu.memory_space<vmem>> -> memref<64x128xf32, #tpu.memory_space<vmem>>
      tpu.wait_dma2 semaphore(%run_scoped3A : memref<!tpu.dma_semaphore, #tpu.memory_space<semaphore_mem>>) src(%dma_wait3A_72 : memref<64x128xf32, #tpu.memory_space<vmem>>) dst(%dma_wait3A_69 : memref<64x128xf32, #tpu.memory_space<hbm>>)
      tpu.yield
    }) : () -> ()
    return
  }
}

#map = affine_map<(d0, d1) -> (0, 0)>
#map1 = affine_map<(d0, d1) -> (0, 0, 0)>
module attributes {stable_mosaic.version = 14 : i64} {
  func.func @tg(%arg0: i32, %arg1: i32, %arg2: memref<10240x128xf32, #tpu.memory_space<hbm>>, %arg3: memref<32x1x32xi32, #tpu.memory_space<hbm>>, %arg4: memref<1024x128xf32, #tpu.memory_space<hbm>>, %arg5: memref<1x32xi32, #tpu.memory_space<vmem>>, %arg6: memref<32x128xf32, #tpu.memory_space<vmem>>, %arg7: memref<!tpu.dma_semaphore, #tpu.memory_space<semaphore_mem>>) attributes {dimension_semantics = [#tpu.dimension_semantics<core_parallel>, #tpu.dimension_semantics<subcore_parallel>], iteration_bounds = array<i64: 2, 16>, scalar_prefetch = 0 : i64, scratch_operands = 3 : i64, tpu.core_type = #tpu.core_type<sc_vector_subcore>, window_params = [{transform_indices = #map}, {transform_indices = #map1}, {transform_indices = #map}]} {
    %mul3A = arith.constant 16 : i32
    %mul3A_0 = arith.muli %arg0, %mul3A : i32
    %add3A = arith.addi %mul3A_0, %arg1 : i32
    "tpu.region"() ({
      %run_scoped3A = tpu.sem_alloc : memref<!tpu.dma_semaphore, #tpu.memory_space<semaphore_mem>>
      %dma_start3A_15 = arith.constant 0 : i32
      %dma_start3A_16 = arith.constant 0 : i32
      %dma_start3A_17 = tpu.memref_slice %arg3[%add3A, %dma_start3A_15, %dma_start3A_16] : memref<32x1x32xi32, #tpu.memory_space<hbm>> -> memref<1x1x32xi32, #tpu.memory_space<hbm>>
      %dma_start3A_18 = tpu.memref_squeeze %dma_start3A_17 : memref<1x1x32xi32, #tpu.memory_space<hbm>> -> memref<1x32xi32, #tpu.memory_space<hbm>>
      %dma_start3A_19 = arith.constant 0 : i32
      %dma_start3A_20 = arith.constant 0 : i32
      %dma_start3A_21 = tpu.memref_slice %arg3[%add3A, %dma_start3A_19, %dma_start3A_20] : memref<32x1x32xi32, #tpu.memory_space<hbm>> -> memref<1x1x32xi32, #tpu.memory_space<hbm>>
      %dma_start3A_22 = tpu.memref_squeeze %dma_start3A_21 : memref<1x1x32xi32, #tpu.memory_space<hbm>> -> memref<1x32xi32, #tpu.memory_space<hbm>>
      tpu.enqueue_dma source(%dma_start3A_22 : memref<1x32xi32, #tpu.memory_space<hbm>>) target(%arg5 : memref<1x32xi32, #tpu.memory_space<vmem>>) target_semaphore(%run_scoped3A : memref<!tpu.dma_semaphore, #tpu.memory_space<semaphore_mem>>)
      %dma_wait3A_23 = arith.constant 0 : i32
      %dma_wait3A_24 = arith.constant 0 : i32
      %dma_wait3A_25 = tpu.memref_slice %arg3[%add3A, %dma_wait3A_23, %dma_wait3A_24] : memref<32x1x32xi32, #tpu.memory_space<hbm>> -> memref<1x1x32xi32, #tpu.memory_space<hbm>>
      %dma_wait3A_26 = tpu.memref_squeeze %dma_wait3A_25 : memref<1x1x32xi32, #tpu.memory_space<hbm>> -> memref<1x32xi32, #tpu.memory_space<hbm>>
      %dma_wait3A_27 = arith.constant 0 : i32
      %dma_wait3A_28 = arith.constant 0 : i32
      %dma_wait3A_29 = tpu.memref_slice %arg3[%add3A, %dma_wait3A_27, %dma_wait3A_28] : memref<32x1x32xi32, #tpu.memory_space<hbm>> -> memref<1x1x32xi32, #tpu.memory_space<hbm>>
      %dma_wait3A_30 = tpu.memref_squeeze %dma_wait3A_29 : memref<1x1x32xi32, #tpu.memory_space<hbm>> -> memref<1x32xi32, #tpu.memory_space<hbm>>
      tpu.wait_dma2 semaphore(%run_scoped3A : memref<!tpu.dma_semaphore, #tpu.memory_space<semaphore_mem>>) src(%dma_wait3A_30 : memref<1x32xi32, #tpu.memory_space<hbm>>) dst(%arg5 : memref<1x32xi32, #tpu.memory_space<vmem>>)
      tpu.yield
    }) : () -> ()
    %dma_start3A = arith.constant 0 : i32
    %dma_start3A_1 = arith.constant 0 : i32
    %dma_start3A_2 = tpu.memref_slice %arg5[%dma_start3A, %dma_start3A_1] : memref<1x32xi32, #tpu.memory_space<vmem>> -> memref<1x32xi32, #tpu.memory_space<vmem>>
    %dma_start3A_3 = tpu.memref_squeeze %dma_start3A_2 : memref<1x32xi32, #tpu.memory_space<vmem>> -> memref<32xi32, #tpu.memory_space<vmem>>
    %dma_start3A_4 = arith.constant 0 : i32
    %dma_start3A_5 = arith.constant 0 : i32
    %dma_start3A_6 = tpu.memref_slice %arg2[%dma_start3A_4, %dma_start3A_5] : memref<10240x128xf32, #tpu.memory_space<hbm>> -> memref<10240x128xf32, #tpu.memory_space<hbm>>
    tpu.enqueue_indirect_dma source(%dma_start3A_6 : memref<10240x128xf32, #tpu.memory_space<hbm>>) target(%arg6 : memref<32x128xf32, #tpu.memory_space<vmem>>) offsets(%dma_start3A_3 : memref<32xi32, #tpu.memory_space<vmem>>) semaphore(%arg7 : memref<!tpu.dma_semaphore, #tpu.memory_space<semaphore_mem>>)
    %dma_wait3A = arith.constant 0 : i32
    %dma_wait3A_7 = arith.constant 0 : i32
    %dma_wait3A_8 = tpu.memref_slice %arg5[%dma_wait3A, %dma_wait3A_7] : memref<1x32xi32, #tpu.memory_space<vmem>> -> memref<1x32xi32, #tpu.memory_space<vmem>>
    %dma_wait3A_9 = tpu.memref_squeeze %dma_wait3A_8 : memref<1x32xi32, #tpu.memory_space<vmem>> -> memref<32xi32, #tpu.memory_space<vmem>>
    %dma_wait3A_10 = arith.constant 0 : i32
    %dma_wait3A_11 = arith.constant 0 : i32
    %dma_wait3A_12 = tpu.memref_slice %arg2[%dma_wait3A_10, %dma_wait3A_11] : memref<10240x128xf32, #tpu.memory_space<hbm>> -> memref<10240x128xf32, #tpu.memory_space<hbm>>
    tpu.wait_indirect_dma semaphore(%arg7 : memref<!tpu.dma_semaphore, #tpu.memory_space<semaphore_mem>>) src(%dma_wait3A_12 : memref<10240x128xf32, #tpu.memory_space<hbm>>) dst(%arg6 : memref<32x128xf32, #tpu.memory_space<vmem>>)
    %mul3A_13 = arith.constant 32 : i32
    %mul3A_14 = arith.muli %add3A, %mul3A_13 : i32
    "tpu.region"() ({
      %run_scoped3A = tpu.sem_alloc : memref<!tpu.dma_semaphore, #tpu.memory_space<semaphore_mem>>
      %dma_start3A_15 = arith.constant 0 : i32
      %dma_start3A_16 = tpu.memref_slice %arg4[%mul3A_14, %dma_start3A_15] : memref<1024x128xf32, #tpu.memory_space<hbm>> -> memref<32x128xf32, #tpu.memory_space<hbm>>
      %dma_start3A_17 = arith.constant 0 : i32
      %dma_start3A_18 = tpu.memref_slice %arg4[%mul3A_14, %dma_start3A_17] : memref<1024x128xf32, #tpu.memory_space<hbm>> -> memref<32x128xf32, #tpu.memory_space<hbm>>
      tpu.enqueue_dma source(%arg6 : memref<32x128xf32, #tpu.memory_space<vmem>>) target(%dma_start3A_18 : memref<32x128xf32, #tpu.memory_space<hbm>>) target_semaphore(%run_scoped3A : memref<!tpu.dma_semaphore, #tpu.memory_space<semaphore_mem>>)
      %dma_wait3A_19 = arith.constant 0 : i32
      %dma_wait3A_20 = tpu.memref_slice %arg4[%mul3A_14, %dma_wait3A_19] : memref<1024x128xf32, #tpu.memory_space<hbm>> -> memref<32x128xf32, #tpu.memory_space<hbm>>
      %dma_wait3A_21 = arith.constant 0 : i32
      %dma_wait3A_22 = tpu.memref_slice %arg4[%mul3A_14, %dma_wait3A_21] : memref<1024x128xf32, #tpu.memory_space<hbm>> -> memref<32x128xf32, #tpu.memory_space<hbm>>
      tpu.wait_dma2 semaphore(%run_scoped3A : memref<!tpu.dma_semaphore, #tpu.memory_space<semaphore_mem>>) src(%arg6 : memref<32x128xf32, #tpu.memory_space<vmem>>) dst(%dma_wait3A_22 : memref<32x128xf32, #tpu.memory_space<hbm>>)
      tpu.yield
    }) : () -> ()
    return
  }
}

module attributes {stable_mosaic.version = 14 : i64} {
  func.func @body(%arg0: i32, %arg1: memref<512x128xf32, #tpu.memory_space<vmem>>, %arg2: memref<512x128xf32, #tpu.memory_space<vmem>>, %arg3: memref<512x1xf32, #tpu.memory_space<vmem>>, %arg4: memref<512x128xf32, #tpu.memory_space<vmem>>, %arg5: memref<1x1xf32, #tpu.memory_space<vmem>>, %arg6: memref<128x128xf32, #tpu.memory_space<vmem>>, %arg7: memref<1x128xf32, #tpu.memory_space<vmem>>, %arg8: memref<1x128xf32, #tpu.memory_space<vmem>>, %arg9: memref<1x128xf32, #tpu.memory_space<vmem>>, %arg10: memref<512x128xf32, #tpu.memory_space<vmem>>, %arg11: memref<512x128xf32, #tpu.memory_space<vmem>>) attributes {dimension_semantics = [#tpu.dimension_semantics<arbitrary>], iteration_bounds = array<i64: 20>, scalar_prefetch = 0 : i64, scratch_operands = 0 : i64, tpu.core_type = #tpu.core_type<tc>, window_params = [{transform_indices = @transform_0, window_bounds = array<i64: 512, 128>}, {transform_indices = @transform_1, window_bounds = array<i64: 512, 128>}, {transform_indices = @transform_2, window_bounds = array<i64: 512, 1>}, {transform_indices = @transform_3, window_bounds = array<i64: 512, 128>}, {pipeline_mode = #tpu.pipeline_mode<synchronous>, transform_indices = @transform_4, window_bounds = array<i64: 1, 1>}, {pipeline_mode = #tpu.pipeline_mode<synchronous>, transform_indices = @transform_5, window_bounds = array<i64: 128, 128>}, {pipeline_mode = #tpu.pipeline_mode<synchronous>, transform_indices = @transform_6, window_bounds = array<i64: 1, 128>}, {pipeline_mode = #tpu.pipeline_mode<synchronous>, transform_indices = @transform_7, window_bounds = array<i64: 1, 128>}, {pipeline_mode = #tpu.pipeline_mode<synchronous>, transform_indices = @transform_8, window_bounds = array<i64: 1, 128>}, {transform_indices = @transform_9, window_bounds = array<i64: 512, 128>}, {transform_indices = @transform_10, window_bounds = array<i64: 512, 128>}]} {
    %get3A = arith.constant 0 : index
    %get3A_0 = arith.constant 0 : index
    %get3A_1 = vector.load %arg3[%get3A, %get3A_0] : memref<512x1xf32, #tpu.memory_space<vmem>>, vector<512x1xf32>
    %add3A = arith.constant 1.000000e+00 : f32
    %add3A_2 = vector.broadcast %add3A : f32 to vector<512x1xf32>
    %add3A_3 = arith.addf %get3A_1, %add3A_2 : vector<512x1xf32>
    %rsqrt3A = math.rsqrt %add3A_3 : vector<512x1xf32>
    %get3A_4 = arith.constant 0 : index
    %get3A_5 = arith.constant 0 : index
    %get3A_6 = vector.load %arg1[%get3A_4, %get3A_5] : memref<512x128xf32, #tpu.memory_space<vmem>>, vector<512x128xf32>
    %get3A_7 = arith.constant 0 : index
    %get3A_8 = arith.constant 0 : index
    %get3A_9 = vector.load %arg2[%get3A_7, %get3A_8] : memref<512x128xf32, #tpu.memory_space<vmem>>, vector<512x128xf32>
    %add3A_10 = arith.addf %get3A_6, %get3A_9 : vector<512x128xf32>
    %mul3A = vector.broadcast %rsqrt3A : vector<512x1xf32> to vector<512x128xf32>
    %mul3A_11 = arith.mulf %add3A_10, %mul3A : vector<512x128xf32>
    %get3A_12 = arith.constant 0 : index
    %get3A_13 = arith.constant 0 : index
    %get3A_14 = vector.load %arg6[%get3A_12, %get3A_13] : memref<128x128xf32, #tpu.memory_space<vmem>>, vector<128x128xf32>
    %dot_general3A = arith.constant dense<0.000000e+00> : vector<512x128xf32>
    %dot_general3A_15 = tpu.matmul %mul3A_11, %get3A_14, %dot_general3A {dimension_numbers = #tpu.dot_dimension_numbers<[1], [0], [0], [1], [0, 0, 1, 1], [], []>, transpose_lhs_hint = false} : vector<512x128xf32>, vector<128x128xf32>, vector<512x128xf32> -> vector<512x128xf32>
    %get3A_16 = arith.constant 0 : index
    %get3A_17 = arith.constant 0 : index
    %get3A_18 = vector.load %arg7[%get3A_16, %get3A_17] : memref<1x128xf32, #tpu.memory_space<vmem>>, vector<1x128xf32>
    %add3A_19 = vector.broadcast %get3A_18 : vector<1x128xf32> to vector<512x128xf32>
    %add3A_20 = arith.addf %dot_general3A_15, %add3A_19 : vector<512x128xf32>
    %reduce_sum3A = arith.constant dense<0.000000e+00> : vector<512xf32>
    %reduce_sum3A_21 = vector.multi_reduction <add>, %add3A_20, %reduce_sum3A [1] : vector<512x128xf32> to vector<512xf32>
    %broadcast_in_dim3A = vector.shape_cast %reduce_sum3A_21 : vector<512xf32> to vector<512x1xf32>
    %div3A = arith.constant 1.280000e+02 : f32
    %div3A_22 = vector.broadcast %div3A : f32 to vector<512x1xf32>
    %div3A_23 = arith.divf %broadcast_in_dim3A, %div3A_22 : vector<512x1xf32>
    %sub3A = vector.broadcast %div3A_23 : vector<512x1xf32> to vector<512x128xf32>
    %sub3A_24 = arith.subf %add3A_20, %sub3A : vector<512x128xf32>
    %mul3A_25 = arith.mulf %sub3A_24, %sub3A_24 : vector<512x128xf32>
    %reduce_sum3A_26 = arith.constant dense<0.000000e+00> : vector<512xf32>
    %reduce_sum3A_27 = vector.multi_reduction <add>, %mul3A_25, %reduce_sum3A_26 [1] : vector<512x128xf32> to vector<512xf32>
    %broadcast_in_dim3A_28 = vector.shape_cast %reduce_sum3A_27 : vector<512xf32> to vector<512x1xf32>
    %div3A_29 = arith.constant 1.280000e+02 : f32
    %div3A_30 = vector.broadcast %div3A_29 : f32 to vector<512x1xf32>
    %div3A_31 = arith.divf %broadcast_in_dim3A_28, %div3A_30 : vector<512x1xf32>
    %add3A_32 = arith.constant 9.99999974E-6 : f32
    %add3A_33 = vector.broadcast %add3A_32 : f32 to vector<512x1xf32>
    %add3A_34 = arith.addf %div3A_31, %add3A_33 : vector<512x1xf32>
    %rsqrt3A_35 = math.rsqrt %add3A_34 : vector<512x1xf32>
    %mul3A_36 = vector.broadcast %rsqrt3A_35 : vector<512x1xf32> to vector<512x128xf32>
    %mul3A_37 = arith.mulf %sub3A_24, %mul3A_36 : vector<512x128xf32>
    %get3A_38 = arith.constant 0 : index
    %get3A_39 = arith.constant 0 : index
    %get3A_40 = vector.load %arg8[%get3A_38, %get3A_39] : memref<1x128xf32, #tpu.memory_space<vmem>>, vector<1x128xf32>
    %mul3A_41 = vector.broadcast %get3A_40 : vector<1x128xf32> to vector<512x128xf32>
    %mul3A_42 = arith.mulf %mul3A_37, %mul3A_41 : vector<512x128xf32>
    %get3A_43 = arith.constant 0 : index
    %get3A_44 = arith.constant 0 : index
    %get3A_45 = vector.load %arg9[%get3A_43, %get3A_44] : memref<1x128xf32, #tpu.memory_space<vmem>>, vector<1x128xf32>
    %add3A_46 = vector.broadcast %get3A_45 : vector<1x128xf32> to vector<512x128xf32>
    %add3A_47 = arith.addf %mul3A_42, %add3A_46 : vector<512x128xf32>
    %max3A = arith.constant 0.000000e+00 : f32
    %max3A_48 = vector.broadcast %max3A : f32 to vector<512x128xf32>
    %max3A_49 = arith.maximumf %add3A_47, %max3A_48 : vector<512x128xf32>
    %get3A_50 = arith.constant 0 : index
    %get3A_51 = arith.constant 0 : index
    %get3A_52 = vector.load %arg5[%get3A_50, %get3A_51] : memref<1x1xf32, #tpu.memory_space<vmem>>, vector<1x1xf32>
    %get3A_53 = vector.extract %get3A_52[0, 0] : f32 from vector<1x1xf32>
    %gt3A = arith.constant 0.000000e+00 : f32
    %gt3A_54 = arith.cmpf ogt, %get3A_53, %gt3A : f32
    %get3A_55 = arith.constant 0 : index
    %get3A_56 = arith.constant 0 : index
    %get3A_57 = vector.load %arg4[%get3A_55, %get3A_56] : memref<512x128xf32, #tpu.memory_space<vmem>>, vector<512x128xf32>
    %select_n3A = arith.select %gt3A_54, %get3A_57, %max3A_49 : vector<512x128xf32>
    %swap3A = arith.constant 0 : index
    %swap3A_58 = arith.constant 0 : index
    %swap3A_59 = vector.load %arg11[%swap3A, %swap3A_58] : memref<512x128xf32, #tpu.memory_space<vmem>>, vector<512x128xf32>
    tpu.vector_store %arg11[%swap3A, %swap3A_58], %select_n3A {strides = array<i32>} : memref<512x128xf32, #tpu.memory_space<vmem>>, vector<512x128xf32>,
    %mul3A_60 = vector.broadcast %rsqrt3A : vector<512x1xf32> to vector<512x128xf32>
    %mul3A_61 = arith.mulf %select_n3A, %mul3A_60 : vector<512x128xf32>
    %swap3A_62 = arith.constant 0 : index
    %swap3A_63 = arith.constant 0 : index
    %swap3A_64 = vector.load %arg10[%swap3A_62, %swap3A_63] : memref<512x128xf32, #tpu.memory_space<vmem>>, vector<512x128xf32>
    tpu.vector_store %arg10[%swap3A_62, %swap3A_63], %mul3A_61 {strides = array<i32>} : memref<512x128xf32, #tpu.memory_space<vmem>>, vector<512x128xf32>,
    return
  }
  func.func @transform_0(%arg0: i32) -> (i32, i32) {
    %c0_i32 = arith.constant 0 : i32
    %c0_i32_0 = arith.constant 0 : i32
    return %arg0, %c0_i32 : i32, i32
  }
  func.func @transform_1(%arg0: i32) -> (i32, i32) {
    %c0_i32 = arith.constant 0 : i32
    %c0_i32_0 = arith.constant 0 : i32
    return %arg0, %c0_i32 : i32, i32
  }
  func.func @transform_2(%arg0: i32) -> (i32, i32) {
    %c0_i32 = arith.constant 0 : i32
    %c0_i32_0 = arith.constant 0 : i32
    return %arg0, %c0_i32 : i32, i32
  }
  func.func @transform_3(%arg0: i32) -> (i32, i32) {
    %c0_i32 = arith.constant 0 : i32
    %c0_i32_0 = arith.constant 0 : i32
    return %arg0, %c0_i32 : i32, i32
  }
  func.func @transform_4(%arg0: i32) -> (i32, i32) {
    %c0_i32 = arith.constant 0 : i32
    %c0_i32_0 = arith.constant 0 : i32
    %c0_i32_1 = arith.constant 0 : i32
    return %c0_i32, %c0_i32_0 : i32, i32
  }
  func.func @transform_5(%arg0: i32) -> (i32, i32) {
    %c0_i32 = arith.constant 0 : i32
    %c0_i32_0 = arith.constant 0 : i32
    %c0_i32_1 = arith.constant 0 : i32
    return %c0_i32, %c0_i32_0 : i32, i32
  }
  func.func @transform_6(%arg0: i32) -> (i32, i32) {
    %c0_i32 = arith.constant 0 : i32
    %c0_i32_0 = arith.constant 0 : i32
    %c0_i32_1 = arith.constant 0 : i32
    return %c0_i32, %c0_i32_0 : i32, i32
  }
  func.func @transform_7(%arg0: i32) -> (i32, i32) {
    %c0_i32 = arith.constant 0 : i32
    %c0_i32_0 = arith.constant 0 : i32
    %c0_i32_1 = arith.constant 0 : i32
    return %c0_i32, %c0_i32_0 : i32, i32
  }
  func.func @transform_8(%arg0: i32) -> (i32, i32) {
    %c0_i32 = arith.constant 0 : i32
    %c0_i32_0 = arith.constant 0 : i32
    %c0_i32_1 = arith.constant 0 : i32
    return %c0_i32, %c0_i32_0 : i32, i32
  }
  func.func @transform_9(%arg0: i32) -> (i32, i32) {
    %c0_i32 = arith.constant 0 : i32
    %c0_i32_0 = arith.constant 0 : i32
    return %arg0, %c0_i32 : i32, i32
  }
  func.func @transform_10(%arg0: i32) -> (i32, i32) {
    %c0_i32 = arith.constant 0 : i32
    %c0_i32_0 = arith.constant 0 : i32
    return %arg0, %c0_i32 : i32, i32
  }
}

module attributes {stable_mosaic.version = 14 : i64} {
  func.func @body(%arg0: i32, %arg1: memref<1024x128xf32, #tpu.memory_space<vmem>>, %arg2: memref<2x128x128xf32, #tpu.memory_space<vmem>>, %arg3: memref<2x1x128xf32, #tpu.memory_space<vmem>>, %arg4: memref<2x1x128xf32, #tpu.memory_space<vmem>>, %arg5: memref<2x1x128xf32, #tpu.memory_space<vmem>>, %arg6: memref<128x128xf32, #tpu.memory_space<vmem>>, %arg7: memref<1x1xf32, #tpu.memory_space<vmem>>, %arg8: memref<1024x128xf32, #tpu.memory_space<vmem>>) attributes {dimension_semantics = [#tpu.dimension_semantics<arbitrary>], iteration_bounds = array<i64: 1>, scalar_prefetch = 0 : i64, scratch_operands = 0 : i64, tpu.core_type = #tpu.core_type<tc>, window_params = [{pipeline_mode = #tpu.pipeline_mode<synchronous>, transform_indices = @transform_0, window_bounds = array<i64: 1024, 128>}, {pipeline_mode = #tpu.pipeline_mode<synchronous>, transform_indices = @transform_1, window_bounds = array<i64: 2, 128, 128>}, {pipeline_mode = #tpu.pipeline_mode<synchronous>, transform_indices = @transform_2, window_bounds = array<i64: 2, 1, 128>}, {pipeline_mode = #tpu.pipeline_mode<synchronous>, transform_indices = @transform_3, window_bounds = array<i64: 2, 1, 128>}, {pipeline_mode = #tpu.pipeline_mode<synchronous>, transform_indices = @transform_4, window_bounds = array<i64: 2, 1, 128>}, {pipeline_mode = #tpu.pipeline_mode<synchronous>, transform_indices = @transform_5, window_bounds = array<i64: 128, 128>}, {pipeline_mode = #tpu.pipeline_mode<synchronous>, transform_indices = @transform_6, window_bounds = array<i64: 1, 1>}, {pipeline_mode = #tpu.pipeline_mode<synchronous>, transform_indices = @transform_7, window_bounds = array<i64: 1024, 128>}]} {
    %get3A = arith.constant 0 : index
    %get3A_0 = arith.constant 0 : index
    %get3A_1 = vector.load %arg1[%get3A, %get3A_0] : memref<1024x128xf32, #tpu.memory_space<vmem>>, vector<1024x128xf32>
    %get3A_2 = arith.constant 0 : index
    %get3A_3 = arith.constant 0 : index
    %get3A_4 = arith.constant 0 : index
    %get3A_5 = vector.load %arg2[%get3A_2, %get3A_3, %get3A_4] : memref<2x128x128xf32, #tpu.memory_space<vmem>>, vector<1x128x128xf32>
    %get3A_6 = vector.shape_cast %get3A_5 : vector<1x128x128xf32> to vector<128x128xf32>
    %dot_general3A = arith.constant dense<0.000000e+00> : vector<1024x128xf32>
    %dot_general3A_7 = tpu.matmul %get3A_1, %get3A_6, %dot_general3A {dimension_numbers = #tpu.dot_dimension_numbers<[1], [0], [0], [1], [0, 0, 1, 1], [], []>, transpose_lhs_hint = false} : vector<1024x128xf32>, vector<128x128xf32>, vector<1024x128xf32> -> vector<1024x128xf32>
    %get3A_8 = arith.constant 0 : index
    %get3A_9 = arith.constant 0 : index
    %get3A_10 = arith.constant 0 : index
    %get3A_11 = vector.load %arg3[%get3A_8, %get3A_9, %get3A_10] : memref<2x1x128xf32, #tpu.memory_space<vmem>>, vector<1x1x128xf32>
    %get3A_12 = vector.shape_cast %get3A_11 : vector<1x1x128xf32> to vector<1x128xf32>
    %add3A = vector.broadcast %get3A_12 : vector<1x128xf32> to vector<1024x128xf32>
    %add3A_13 = arith.addf %dot_general3A_7, %add3A : vector<1024x128xf32>
    %reduce_sum3A = arith.constant dense<0.000000e+00> : vector<1024xf32>
    %reduce_sum3A_14 = vector.multi_reduction <add>, %add3A_13, %reduce_sum3A [1] : vector<1024x128xf32> to vector<1024xf32>
    %broadcast_in_dim3A = vector.shape_cast %reduce_sum3A_14 : vector<1024xf32> to vector<1024x1xf32>
    %div3A = arith.constant 1.280000e+02 : f32
    %div3A_15 = vector.broadcast %div3A : f32 to vector<1024x1xf32>
    %div3A_16 = arith.divf %broadcast_in_dim3A, %div3A_15 : vector<1024x1xf32>
    %sub3A = vector.broadcast %div3A_16 : vector<1024x1xf32> to vector<1024x128xf32>
    %sub3A_17 = arith.subf %add3A_13, %sub3A : vector<1024x128xf32>
    %mul3A = arith.mulf %sub3A_17, %sub3A_17 : vector<1024x128xf32>
    %reduce_sum3A_18 = arith.constant dense<0.000000e+00> : vector<1024xf32>
    %reduce_sum3A_19 = vector.multi_reduction <add>, %mul3A, %reduce_sum3A_18 [1] : vector<1024x128xf32> to vector<1024xf32>
    %broadcast_in_dim3A_20 = vector.shape_cast %reduce_sum3A_19 : vector<1024xf32> to vector<1024x1xf32>
    %div3A_21 = arith.constant 1.280000e+02 : f32
    %div3A_22 = vector.broadcast %div3A_21 : f32 to vector<1024x1xf32>
    %div3A_23 = arith.divf %broadcast_in_dim3A_20, %div3A_22 : vector<1024x1xf32>
    %add3A_24 = arith.constant 9.99999974E-6 : f32
    %add3A_25 = vector.broadcast %add3A_24 : f32 to vector<1024x1xf32>
    %add3A_26 = arith.addf %div3A_23, %add3A_25 : vector<1024x1xf32>
    %rsqrt3A = math.rsqrt %add3A_26 : vector<1024x1xf32>
    %mul3A_27 = vector.broadcast %rsqrt3A : vector<1024x1xf32> to vector<1024x128xf32>
    %mul3A_28 = arith.mulf %sub3A_17, %mul3A_27 : vector<1024x128xf32>
    %get3A_29 = arith.constant 0 : index
    %get3A_30 = arith.constant 0 : index
    %get3A_31 = arith.constant 0 : index
    %get3A_32 = vector.load %arg4[%get3A_29, %get3A_30, %get3A_31] : memref<2x1x128xf32, #tpu.memory_space<vmem>>, vector<1x1x128xf32>
    %get3A_33 = vector.shape_cast %get3A_32 : vector<1x1x128xf32> to vector<1x128xf32>
    %mul3A_34 = vector.broadcast %get3A_33 : vector<1x128xf32> to vector<1024x128xf32>
    %mul3A_35 = arith.mulf %mul3A_28, %mul3A_34 : vector<1024x128xf32>
    %get3A_36 = arith.constant 0 : index
    %get3A_37 = arith.constant 0 : index
    %get3A_38 = arith.constant 0 : index
    %get3A_39 = vector.load %arg5[%get3A_36, %get3A_37, %get3A_38] : memref<2x1x128xf32, #tpu.memory_space<vmem>>, vector<1x1x128xf32>
    %get3A_40 = vector.shape_cast %get3A_39 : vector<1x1x128xf32> to vector<1x128xf32>
    %add3A_41 = vector.broadcast %get3A_40 : vector<1x128xf32> to vector<1024x128xf32>
    %add3A_42 = arith.addf %mul3A_35, %add3A_41 : vector<1024x128xf32>
    %max3A = arith.constant 0.000000e+00 : f32
    %max3A_43 = vector.broadcast %max3A : f32 to vector<1024x128xf32>
    %max3A_44 = arith.maximumf %add3A_42, %max3A_43 : vector<1024x128xf32>
    %get3A_45 = arith.constant 1 : index
    %get3A_46 = arith.constant 0 : index
    %get3A_47 = arith.constant 0 : index
    %get3A_48 = vector.load %arg2[%get3A_45, %get3A_46, %get3A_47] : memref<2x128x128xf32, #tpu.memory_space<vmem>>, vector<1x128x128xf32>
    %get3A_49 = vector.shape_cast %get3A_48 : vector<1x128x128xf32> to vector<128x128xf32>
    %dot_general3A_50 = arith.constant dense<0.000000e+00> : vector<1024x128xf32>
    %dot_general3A_51 = tpu.matmul %max3A_44, %get3A_49, %dot_general3A_50 {dimension_numbers = #tpu.dot_dimension_numbers<[1], [0], [0], [1], [0, 0, 1, 1], [], []>, transpose_lhs_hint = false} : vector<1024x128xf32>, vector<128x128xf32>, vector<1024x128xf32> -> vector<1024x128xf32>
    %get3A_52 = arith.constant 1 : index
    %get3A_53 = arith.constant 0 : index
    %get3A_54 = arith.constant 0 : index
    %get3A_55 = vector.load %arg3[%get3A_52, %get3A_53, %get3A_54] : memref<2x1x128xf32, #tpu.memory_space<vmem>>, vector<1x1x128xf32>
    %get3A_56 = vector.shape_cast %get3A_55 : vector<1x1x128xf32> to vector<1x128xf32>
    %add3A_57 = vector.broadcast %get3A_56 : vector<1x128xf32> to vector<1024x128xf32>
    %add3A_58 = arith.addf %dot_general3A_51, %add3A_57 : vector<1024x128xf32>
    %reduce_sum3A_59 = arith.constant dense<0.000000e+00> : vector<1024xf32>
    %reduce_sum3A_60 = vector.multi_reduction <add>, %add3A_58, %reduce_sum3A_59 [1] : vector<1024x128xf32> to vector<1024xf32>
    %broadcast_in_dim3A_61 = vector.shape_cast %reduce_sum3A_60 : vector<1024xf32> to vector<1024x1xf32>
    %div3A_62 = arith.constant 1.280000e+02 : f32
    %div3A_63 = vector.broadcast %div3A_62 : f32 to vector<1024x1xf32>
    %div3A_64 = arith.divf %broadcast_in_dim3A_61, %div3A_63 : vector<1024x1xf32>
    %sub3A_65 = vector.broadcast %div3A_64 : vector<1024x1xf32> to vector<1024x128xf32>
    %sub3A_66 = arith.subf %add3A_58, %sub3A_65 : vector<1024x128xf32>
    %mul3A_67 = arith.mulf %sub3A_66, %sub3A_66 : vector<1024x128xf32>
    %reduce_sum3A_68 = arith.constant dense<0.000000e+00> : vector<1024xf32>
    %reduce_sum3A_69 = vector.multi_reduction <add>, %mul3A_67, %reduce_sum3A_68 [1] : vector<1024x128xf32> to vector<1024xf32>
    %broadcast_in_dim3A_70 = vector.shape_cast %reduce_sum3A_69 : vector<1024xf32> to vector<1024x1xf32>
    %div3A_71 = arith.constant 1.280000e+02 : f32
    %div3A_72 = vector.broadcast %div3A_71 : f32 to vector<1024x1xf32>
    %div3A_73 = arith.divf %broadcast_in_dim3A_70, %div3A_72 : vector<1024x1xf32>
    %add3A_74 = arith.constant 9.99999974E-6 : f32
    %add3A_75 = vector.broadcast %add3A_74 : f32 to vector<1024x1xf32>
    %add3A_76 = arith.addf %div3A_73, %add3A_75 : vector<1024x1xf32>
    %rsqrt3A_77 = math.rsqrt %add3A_76 : vector<1024x1xf32>
    %mul3A_78 = vector.broadcast %rsqrt3A_77 : vector<1024x1xf32> to vector<1024x128xf32>
    %mul3A_79 = arith.mulf %sub3A_66, %mul3A_78 : vector<1024x128xf32>
    %get3A_80 = arith.constant 1 : index
    %get3A_81 = arith.constant 0 : index
    %get3A_82 = arith.constant 0 : index
    %get3A_83 = vector.load %arg4[%get3A_80, %get3A_81, %get3A_82] : memref<2x1x128xf32, #tpu.memory_space<vmem>>, vector<1x1x128xf32>
    %get3A_84 = vector.shape_cast %get3A_83 : vector<1x1x128xf32> to vector<1x128xf32>
    %mul3A_85 = vector.broadcast %get3A_84 : vector<1x128xf32> to vector<1024x128xf32>
    %mul3A_86 = arith.mulf %mul3A_79, %mul3A_85 : vector<1024x128xf32>
    %get3A_87 = arith.constant 1 : index
    %get3A_88 = arith.constant 0 : index
    %get3A_89 = arith.constant 0 : index
    %get3A_90 = vector.load %arg5[%get3A_87, %get3A_88, %get3A_89] : memref<2x1x128xf32, #tpu.memory_space<vmem>>, vector<1x1x128xf32>
    %get3A_91 = vector.shape_cast %get3A_90 : vector<1x1x128xf32> to vector<1x128xf32>
    %add3A_92 = vector.broadcast %get3A_91 : vector<1x128xf32> to vector<1024x128xf32>
    %add3A_93 = arith.addf %mul3A_86, %add3A_92 : vector<1024x128xf32>
    %max3A_94 = arith.constant 0.000000e+00 : f32
    %max3A_95 = vector.broadcast %max3A_94 : f32 to vector<1024x128xf32>
    %max3A_96 = arith.maximumf %add3A_93, %max3A_95 : vector<1024x128xf32>
    %get3A_97 = arith.constant 0 : index
    %get3A_98 = arith.constant 0 : index
    %get3A_99 = vector.load %arg6[%get3A_97, %get3A_98] : memref<128x128xf32, #tpu.memory_space<vmem>>, vector<128x128xf32>
    %dot_general3A_100 = arith.constant dense<0.000000e+00> : vector<1024x128xf32>
    %dot_general3A_101 = tpu.matmul %max3A_96, %get3A_99, %dot_general3A_100 {dimension_numbers = #tpu.dot_dimension_numbers<[1], [0], [0], [1], [0, 0, 1, 1], [], []>, transpose_lhs_hint = false} : vector<1024x128xf32>, vector<128x128xf32>, vector<1024x128xf32> -> vector<1024x128xf32>
    %get3A_102 = arith.constant 0 : index
    %get3A_103 = arith.constant 0 : index
    %get3A_104 = vector.load %arg7[%get3A_102, %get3A_103] : memref<1x1xf32, #tpu.memory_space<vmem>>, vector<1x1xf32>
    %get3A_105 = vector.extract %get3A_104[0, 0] : f32 from vector<1x1xf32>
    %add3A_106 = vector.broadcast %get3A_105 : f32 to vector<1024x128xf32>
    %add3A_107 = arith.addf %dot_general3A_101, %add3A_106 : vector<1024x128xf32>
    %swap3A = arith.constant 0 : index
    %swap3A_108 = arith.constant 0 : index
    %swap3A_109 = vector.load %arg8[%swap3A, %swap3A_108] : memref<1024x128xf32, #tpu.memory_space<vmem>>, vector<1024x128xf32>
    tpu.vector_store %arg8[%swap3A, %swap3A_108], %add3A_107 {strides = array<i32>} : memref<1024x128xf32, #tpu.memory_space<vmem>>, vector<1024x128xf32>,
    return
  }
  func.func @transform_0(%arg0: i32) -> (i32, i32) {
    %c0_i32 = arith.constant 0 : i32
    %c0_i32_0 = arith.constant 0 : i32
    %c0_i32_1 = arith.constant 0 : i32
    return %c0_i32, %c0_i32_0 : i32, i32
  }
  func.func @transform_1(%arg0: i32) -> (i32, i32, i32) {
    %c0_i32 = arith.constant 0 : i32
    %c0_i32_0 = arith.constant 0 : i32
    %c0_i32_1 = arith.constant 0 : i32
    %c0_i32_2 = arith.constant 0 : i32
    return %c0_i32, %c0_i32_0, %c0_i32_1 : i32, i32, i32
  }
  func.func @transform_2(%arg0: i32) -> (i32, i32, i32) {
    %c0_i32 = arith.constant 0 : i32
    %c0_i32_0 = arith.constant 0 : i32
    %c0_i32_1 = arith.constant 0 : i32
    %c0_i32_2 = arith.constant 0 : i32
    return %c0_i32, %c0_i32_0, %c0_i32_1 : i32, i32, i32
  }
  func.func @transform_3(%arg0: i32) -> (i32, i32, i32) {
    %c0_i32 = arith.constant 0 : i32
    %c0_i32_0 = arith.constant 0 : i32
    %c0_i32_1 = arith.constant 0 : i32
    %c0_i32_2 = arith.constant 0 : i32
    return %c0_i32, %c0_i32_0, %c0_i32_1 : i32, i32, i32
  }
  func.func @transform_4(%arg0: i32) -> (i32, i32, i32) {
    %c0_i32 = arith.constant 0 : i32
    %c0_i32_0 = arith.constant 0 : i32
    %c0_i32_1 = arith.constant 0 : i32
    %c0_i32_2 = arith.constant 0 : i32
    return %c0_i32, %c0_i32_0, %c0_i32_1 : i32, i32, i32
  }
  func.func @transform_5(%arg0: i32) -> (i32, i32) {
    %c0_i32 = arith.constant 0 : i32
    %c0_i32_0 = arith.constant 0 : i32
    %c0_i32_1 = arith.constant 0 : i32
    return %c0_i32, %c0_i32_0 : i32, i32
  }
  func.func @transform_6(%arg0: i32) -> (i32, i32) {
    %c0_i32 = arith.constant 0 : i32
    %c0_i32_0 = arith.constant 0 : i32
    %c0_i32_1 = arith.constant 0 : i32
    return %c0_i32, %c0_i32_0 : i32, i32
  }
  func.func @transform_7(%arg0: i32) -> (i32, i32) {
    %c0_i32 = arith.constant 0 : i32
    %c0_i32_0 = arith.constant 0 : i32
    %c0_i32_1 = arith.constant 0 : i32
    return %c0_i32, %c0_i32_0 : i32, i32
  }
}

</mosaic_0001>

<sc_bundles>
// kernel: closed_call.18.cloned.1.call-start
scs
__scs_entry_jumppad:
0x0: {  	(pc) =	sbr.rel $0x88, $3  }
0x1: {  	(tag) =	ssettag $0x0;
	lr =	simm.s32 $0x1  }
0x2: {  	[smem:$0x3F93] =	sst lr;
	_ =	strace $0xD0000000  }
0x3: {  	_ = 	snop  }
0x4: {  	_ = 	snop  }
0x5: {  	_ = 	snop  }
0x6: {  	_ = 	snop  }
0x7: {  	_ = 	snop  }
__scs_overlays_trampoline_lowered:
0x8: {  	[smem:$0x3FA2] =	sst s0  }
0x9: {  	[smem:$0x3FA3] =	sst s1  }
0xa: {  	[smem:$0x3FA4] =	sst s2  }
0xb: {  	[smem:$0x3FA5] =	sst s3  }
0xc: {  	[smem:$0x3FA6] =	sst s4  }
0xd: {  	[smem:$0x3FA7] =	sst s5  }
0xe: {  	[smem:$0x3FA8] =	sst s6  }
0xf: {  	[smem:$0x3FA9] =	sst s7  }
0x10: {  	[smem:$0x3FAA] =	sst s8  }
0x11: {  	[smem:$0x3FAB] =	sst s9;
	s0 =	simm.s32 @!p0 $0x0  }
0x12: {  	s1 =	sld [smem:$0x3F91];
	s0 =	simm.s32 @p0 $0x1  }
0x13: {  	[smem:$0x3FAC] =	sst s0;
	s0 =	simm.s32 @!p1 $0x0  }
0x14: {  	s2 =	sld [smem:$0x3F90];
	s0 =	simm.s32 @p1 $0x1  }
0x15: {  	[smem:$0x3FAD] =	sst s0;
	s0 =	simm.s32 @!p2 $0x0  }
0x16: {  	s3 =	sld [smem:$0x3FDB];
	s0 =	simm.s32 @p2 $0x1  }
0x17: {  	s4 =	simm.s32 $0x1BF5;
	[smem:$0x3FAF] =	sst s0  }
0x18: {  	s0 =	sld [smem:$0x3F92];
	_ =	swait.ge [sflag:s4], $0x0  }
0x19: {  	s7 =	sld [smem:$0x3F93]  }
0x1a: {  	s8 =	sadd.s32 $0xFFFFE003, lr  }
0x1b: {  	s9 =	sadd.s32 $0xFFFFFEF7, lr;
	s5 =	simm.s32 $0xFFFFFFFF;
	p2 =	slt.u32 s8, $0xFFFFF086  }
0x1c: {  	p1 =	slt.u32 s9, $0xF7A;
	s5 =	simm.s32 @!p2 $0x0  }
0x1d: {  	s5 =	simm.s32 @p1 $0x1;
	p0 =	seq.s32 s7, s2  }
0x1e: {  	s7 =	smul.u32 @!p0 $0xF7A, s2;
	p2 =	seq.s32 @!p0 s5, $0x0  }
0x1f: {  	s9 =	smul.u32 $0xF7A, s1;
	s8 =	simm.s32 @!p0 $0x1BF5;
	p2 =	por !p2, p0  }
0x20: {  	[sflag:s8] =	ssyncset.s32 @!p0 $0xFFFFF086;
	s6 =	sadd.s32 @!p0 s3, s7;
	s7 =	simm.s32 @!p0 $0x108  }
0x21: {  	s3 =	sadd.s32 s3, s9;
	s6 =	sadd.s32 @!p0 $0x88, s6;
	s7 =	simm.s32 @p2 $0x1082  }
0x22: {  	[simem:s7], [sflag:s8] =	dma.local @!p0 [hbm:s6], $0xF7A  }
0x23: {  	s9 =	sor.u32 $0xD0000000, s2;
	s6 =	simm.s32 $0x108;
	_ =	swait.ge @!p0 [sflag:s8], $0x0  }
0x24: {  	s3 =	sadd.s32 $0x88, s3;
	s6 =	simm.s32 @!p1 $0x1082;
	[sflag:s4] =	ssyncset.s32 $0xFFFFF086  }
0x25: {  	[simem:s6], [sflag:s4] =	dma.local [hbm:s3], $0xF7A  }
0x26: {  	[smem:$0x3F93] =	sst s1;
	(tag) =	ssettag s2;
	_ =	strace s9  }
0x27: {  	s1 =	sld [smem:$0x3FA3]  }
0x28: {  	s2 =	sld [smem:$0x3FA4]  }
0x29: {  	s4 =	sld [smem:$0x3FA6]  }
0x2a: {  	p0 =	seq.s32 s5, $0x0;
	s5 =	sld [smem:$0x3FA7]  }
0x2b: {  	s6 =	sld [smem:$0x3FA8]  }
0x2c: {  	s7 =	sld [smem:$0x3FA9]  }
0x2d: {  	s3 =	simm.s32 $0x108;
	s8 =	sld [smem:$0x3FAA]  }
0x2e: {  	s3 =	simm.s32 @!p0 $0x1082;
	s9 =	sld [smem:$0x3FAB]  }
0x2f: {  	lr =	sadd.s32 s0, s3;
	s0 =	sld [smem:$0x3FA2]  }
0x30: {  	s3 =	sld [smem:$0x3FA5]  }
0x31: {  	[smem:$0x3FAE] =	sst s10  }
0x32: {  	s10 =	sld [smem:$0x3FAC];
	_ =	sdelay $0x3  }
0x33: {  	p0 =	seq.s32 s10, $0x1;
	s10 =	sld [smem:$0x3FAE];
	_ =	sdelay $0x3  }
0x34: {  	[smem:$0x3FAE] =	sst s10  }
0x35: {  	s10 =	sld [smem:$0x3FAD];
	_ =	sdelay $0x3  }
0x36: {  	p1 =	seq.s32 s10, $0x1;
	s10 =	sld [smem:$0x3FAE];
	_ =	sdelay $0x3  }
0x37: {  	[smem:$0x3FAE] =	sst s10  }
0x38: {  	s10 =	sld [smem:$0x3FAF]  }
0x39: {  	_ = 	snop;
	(pc) =	sbr.ind lr, $3  }
0x3a: {  	_ = 	snop  }
0x3b: {  	_ = 	snop  }
0x3c: {  	p2 =	seq.s32 s10, $0x1;
	s10 =	sld [smem:$0x3FAE]  }
0x3d: {  	_ =	shalt  }
0x3e: {  	_ =	shalt  }
0x3f: {  	_ =	shalt  }
0x40: {  	_ =	shalt  }
0x41: {  	_ =	shalt  }
0x42: {  	_ =	shalt  }
0x43: {  	_ =	shalt  }
0x44: {  	_ =	shalt  }
0x45: {  	_ =	shalt  }
0x46: {  	_ =	shalt  }
0x47: {  	_ =	shalt  }
0x48: {  	_ =	shalt  }
0x49: {  	_ =	shalt  }
0x4a: {  	_ =	shalt  }
0x4b: {  	_ =	shalt  }
0x4c: {  	_ =	shalt  }
0x4d: {  	_ =	shalt  }
0x4e: {  	_ =	shalt  }
0x4f: {  	_ =	shalt  }
0x50: {  	_ =	shalt  }
0x51: {  	_ =	shalt  }
0x52: {  	_ =	shalt  }
0x53: {  	_ =	shalt  }
0x54: {  	_ =	shalt  }
0x55: {  	_ =	shalt  }
0x56: {  	_ =	shalt  }
0x57: {  	_ =	shalt  }
0x58: {  	_ =	shalt  }
0x59: {  	_ =	shalt  }
0x5a: {  	_ =	shalt  }
0x5b: {  	_ =	shalt  }
0x5c: {  	_ =	shalt  }
0x5d: {  	_ =	shalt  }
0x5e: {  	_ =	shalt  }
0x5f: {  	_ =	shalt  }
0x60: {  	_ =	shalt  }
0x61: {  	_ =	shalt  }
0x62: {  	_ =	shalt  }
0x63: {  	_ =	shalt  }
0x64: {  	_ =	shalt  }
0x65: {  	_ =	shalt  }
0x66: {  	_ =	shalt  }
0x67: {  	_ =	shalt  }
0x68: {  	_ =	shalt  }
0x69: {  	_ =	shalt  }
0x6a: {  	_ =	shalt  }
0x6b: {  	_ =	shalt  }
0x6c: {  	_ =	shalt  }
0x6d: {  	_ =	shalt  }
0x6e: {  	_ =	shalt  }
0x6f: {  	_ =	shalt  }
0x70: {  	_ =	shalt  }
0x71: {  	_ =	shalt  }
0x72: {  	_ =	shalt  }
0x73: {  	_ =	shalt  }
0x74: {  	_ =	shalt  }
0x75: {  	_ =	shalt  }
0x76: {  	_ =	shalt  }
0x77: {  	_ =	shalt  }
0x78: {  	_ =	shalt  }
0x79: {  	_ =	shalt  }
0x7a: {  	_ =	shalt  }
0x7b: {  	_ =	shalt  }
0x7c: {  	_ =	shalt  }
0x7d: {  	_ =	shalt  }
0x7e: {  	_ =	shalt  }
0x7f: {  	_ =	shalt  }
0x80: {  	_ =	shalt  }
0x81: {  	_ =	shalt  }
0x82: {  	_ =	shalt  }
0x83: {  	_ =	shalt  }
0x84: {  	_ =	shalt  }
0x85: {  	_ =	shalt  }
0x86: {  	_ =	shalt  }
0x87: {  	_ =	shalt  }
.Lfunc_end0:
.L_simem_size_0:
called_computation_lowered:
.L_overlay_start_0:
0x88: {  	s2 =	sld [smem:$0x3FD9]  }
0x89: {  	s3 =	sld [smem:$0x3FFE];
	_ =	sdelay $0x1  }
0x8a: {  	s1 =	srdreg.scid  }
0x8b: {  	s0 =	sand.u32 $0x1, s1  }
0x8c: {  	s16 =	sshll.u32 s0, $0xA;
	s2 =	sadd.s32 s3, s2  }
0x8d: {  	s2 =	sadd.s32 s2, s16  }
0x8e: {  	[smem:$0x3FBA] =	sst s2  }
0x8f: {  	_ = 	snop  }
0x90: {  	(tm) =	ssettm $0x1  }
0x91: {  	s17 =	sld [smem:$0x3FFB];
	_ =	sdelay $0x3  }
0x92: {  	_ =	strace s17  }
0x93: {  	s2 =	sld [smem:$0x3FFC];
	_ =	sdelay $0x3  }
0x94: {  	_ =	strace s2  }
0x95: {  	s2 =	sld [smem:$0x3FFD];
	_ =	sdelay $0x3  }
0x96: {  	_ =	strace s2  }
0x97: {  	_ =	strace $0x8FFFFFFF  }
0x98: {  	s18 =	sld [smem:$0x3FDB];
	_ =	sdelay $0x1  }
0x99: {  	s19 =	simm.s32 $_scs_section_size  }
0x9a: {  	s4 =	simm.s32 $_size__tile_overlayer_lowered;
	s5 =	simm.s32 $_tile_overlayer_lowered  }
0x9b: {  	s22 =	simm.s32 $0x1BFF;
	s21 =	sshll.u32 s5, $0x1;
	s2 =	sadd.s32 s19, s18  }
0x9c: {  	s6 =	simm.s32 $0x0;
	s20 =	sshll.u32 s4, $0x1;
	s4 =	sadd.s32 s21, s2  }
0x9d: {  	[timem:s6], [sflag:s22] =	dma.local [hbm:s4], s20  }
0x9e: {  	_ =	swait.ge [sflag:s22], s20  }
0x9f: {  	s3 =	ssub.s32 $0x0, s20;
	[sflag:s22] =	ssyncset.done $0x0  }
0xa0: {  	[sflag:s22] =	ssyncadd.s32 s3;
	_ =	sdelay $0x1  }
0xa1: {  	s23 =	simm.s32 $0x1B8B  }
0xa2: {  	_ =	swait.ge [sflag:s23], $0x1  }
0xa3: {  	[sflag:s23] =	ssyncset.done $0x0  }
0xa4: {  	s25 =	simm.s32 $0x1B8E;
	s24 =	sld [smem:$0x3FFE];
	[sflag:s23] =	ssyncadd.s32 $0xFFFFFFFF  }
0xa5: {  	s26 =	simm.s32 $execute0_lowered;
	[smem:$0x3FD2] =	sst s25  }
0xa6: {  	s4 =	sshll.u32 s26, $0x1;
	_ =	strace $0x8000004C;
	[dreg:$0x1] =	wrdreg $0xFFFFFFFF  }
0xa7: {  	s28 =	simm.s32 $_size_execute0_lowered;
	s2 =	sadd.s32 s2, s4;
	[dreg:$0x0] =	wrdreg $0x0  }
0xa8: {  	s4 =	sshll.u32 s28, $0x1;
	[dreg:$0x2] =	wrdreg s2  }
0xa9: {  	[dreg:$0x3] =	wrdreg s4  }
0xaa: {  	[dreg:$0x4] =	wrdreg $0xC0  }
0xab: {  	_ =	task [dreg:s6], $0x5FFFF  }
0xac: {  	[dreg:$0x1] =	wrdreg $0xFFFFFFFF  }
0xad: {  	[dreg:$0x0] =	wrdreg $0x60  }
0xae: {  	[dreg:$0x2] =	wrdreg s24  }
0xaf: {  	[dreg:$0x3] =	wrdreg $0x120800  }
0xb0: {  	[dreg:$0x4] =	wrdreg $0x9  }
0xb1: {  	_ =	task.clear_ibuf [dreg:s6], $0x5FFFF;
	_ =	strace $0x9000004C  }
0xb2: {  	s29 =	simm.s32 $0x9;
	_ =	strace $0x8000004E  }
0xb3: {  	_ =	swait.ge [sflag:s29], $0x1  }
0xb4: {  	[sflag:s29] =	ssyncadd.s32 $0xFFFFFFFF  }
0xb5: {  	_ =	strace $0x9000004E  }
0xb6: {  	_ =	sfence  }
0xb7: {  	s30 =	sld [smem:$0x0];
	_ =	sdelay $0x2  }
0xb8: {  	s31 =	sshll.u32 s1, $0xD;
	s1 =	sshrl.u32 s1, $0x2  }
0xb9: {  	s3 =	sand.u32 $0x4000, s31;
	s1 =	sadd.s32 s1, s30  }
0xba: {  	s0 =	sor.u32 s3, s0;
	s1 =	sshll.u32 s1, $0x11  }
0xbb: {  	s0 =	sor.u32 s1, s0  }
0xbc: {  	s0 =	sadd.s32 $0x8F2B, s0  }
0xbd: {  	[sflag:s0] =	ssyncadd.remote.s32 $0x1  }
0xbe: {  	_ =	sfence.sel $0xFFFF  }
0xbf: {  	[dreg:$0x0] =	wrdreg $0xFFFFFFFF;
	(pc) =	sbr.abs _section_cstart, $3  }
0xc0: {  	[dreg:$0x1] =	wrdreg $0xFFFFFFFF  }
0xc1: {  	_ =	task.clear_ibuf [dreg:s6], $0x2FFFF;
	_ =	strace $0x9FFFFFFF  }
0xc2: {  	(tm) =	ssettm $0x7FFFFFFF  }
0xc3: {  	_ =	shalt  }
tec
execute0_lowered:
.L_overlay_start_1:
0x0: {  	(tag) =	ssettag $0x1  }
0x1: {  	s5 =	rddreg [dreg:$0x0];
	s0 =	srdreg.scid  }
0x2: {  	s2 =	rddreg [dreg:$0x1];
	s1 =	stileid.u32  }
0x3: {  	s3 =	simm.s32 $0x0;
	s17 =	simm.s32 $0xE080;
	s18 =	simm.s32 $0x3  }
0x4: {  	s19 =	simm.s32 $0x5000;
	s20 =	simm.s32 $0x80;
	s7 =	smul.u32 $0x140, s1  }
0x5: {  	s21 =	simm.s32 $0xA080;
	s22 =	simm.s32 $0x1;
	s8 =	smul.u32 $0xA00, s1  }
0x6: {  	s25 =	simm.s32 $0x0;
	s6 =	sand.u32 $0x1, s0;
	s29 =	smul.u32 $0x28200, s1  }
0x7: {  	[smem:$0x7FF] =	sst s3;
	s4 =	sadd.s32 $0x53E00, s5;
	s10 =	smul.u32 $0x28000, s1  }
0x8: {  	s23 =	smul.u32 $0x1400, s6;
	_ =	strace $0x8000004D;
	s30 =	ssub.s32 $0x2, s6  }
0x9: {  	s6 =	smul.u32 $0xFFEC00, s6;
	s9 =	sadd.s32 s8, s5;
	s31 =	sshrl.u32 s30, $0x1  }
0xa: {  	s8 =	sshrl.u32 s29, $0x2;
	s10 =	sshrl.u32 s10, $0x2;
	s7 =	sadd.s32 s7, s23  }
0xb: {  	s16 =	ssub.s32 s30, s31;
	s24 =	sadd.s32 $0x1400, s6;
	s10 =	sadd.s32 s10, s2  }
0xc: {  	v0 =	vmov s23;
	s23 =	simm.s32 $0xA000;
	s7 =	sshll.u32 s7, $0x4;
	s12 =	sadd.s32 $0x4000, s10  }
0xd: {  	s14 =	sadd.s32 $0x8000, s10;
	s16 =	smax.u32 s16, $0x1;
	v1 =	vmov s24;
	s24 =	simm.s32 $0x2  }
0xe: {  	s15 =	sadd.s32 s7, s5;
	s5 =	sadd.s32 s8, s2;
	s8 =	sadd.s32 $0x2C00, s9  }
0xf: {  	s9 =	sadd.s32 $0xCC00, s9;
	s6 =	sadd.s32 $0x4000, s5;
	s7 =	sadd.s32 $0x8000, s5  }
0x10: {  	v2 =	vimm.f32 $0.0e+00;
	s11 =	sadd.s32 $0x7BE00, s15;
	s13 =	sadd.s32 $0x7C600, s15;
	s15 =	sadd.s32 $0x7CE00, s15  }
.LBB2_1:
0x11: {  	s26 =	simm.s32 $0x0;
	s28 =	simm.s32 $0x200  }
.LBB2_2:
0x12: {  	p0 =	sne.s32 s28, $0xFE00;
	[tilespmem:s26+$0xE0F0] =	vst v2  }
0x13: {  	[tilespmem:s26+$0xE080] =	vst v2  }
0x14: {  	[tilespmem:s26+$0xE090] =	vst v2  }
.Ltmp0:
0x15: {  	[tilespmem:s26+$0xE0A0] =	vst v2;
	(pc) =	sbr.rel @p0 .LBB2_2-.Ltmp0, $4  }
0x16: {  	[tilespmem:s26+$0xE0B0] =	vst v2  }
0x17: {  	[tilespmem:s26+$0xE0C0] =	vst v2  }
0x18: {  	[tilespmem:s26+$0xE0D0] =	vst v2  }
0x19: {  	[tilespmem:s26+$0xE0E0] =	vst v2;
	s26 =	sshra.s32 s28, $0x2;
	s28 =	sadd.s32 $0x200, s28  }
0x1a: {  	[tilespmem:s26+$0xE0F0] =	vst v2  }
0x1b: {  	[tilespmem:s26+$0xE080] =	vst v2  }
0x1c: {  	[tilespmem:s26+$0xE090] =	vst v2  }
0x1d: {  	[tilespmem:s26+$0xE0A0] =	vst v2  }
0x1e: {  	[tilespmem:s26+$0xE0B0] =	vst v2  }
0x1f: {  	[tilespmem:s26+$0xE0C0] =	vst v2  }
0x20: {  	[tilespmem:s26+$0xE0D0] =	vst v2  }
0x21: {  	[tilespmem:s26+$0xE0E0] =	vst v2  }
0x22: {  	[spmem:s5] =	stream.linear.scatter [tilespmem:s17], [sflag:$0x3], $0x4000, $0x38;
	[tilespmem:$0x1C100] =	vst v63  }
0x23: {  	_ =	swait.ge [sflag:s18], $0x4000  }
0x24: {  	[sflag:s18] =	ssyncset.done $0x0  }
0x25: {  	[sflag:s18] =	ssyncadd.s32 $0xFFFFC000  }
0x26: {  	[spmem:s6] =	stream.linear.scatter [tilespmem:s17], [sflag:$0x3], $0x4000, $0x38;
	[tilespmem:$0x1C100] =	vst v63  }
0x27: {  	_ =	swait.ge [sflag:s18], $0x4000  }
0x28: {  	[sflag:s18] =	ssyncset.done $0x0  }
0x29: {  	[sflag:s18] =	ssyncadd.s32 $0xFFFFC000  }
0x2a: {  	[spmem:s7] =	stream.linear.scatter [tilespmem:s17], [sflag:$0x3], $0x2080, $0x38;
	[tilespmem:$0x1C100] =	vst v63  }
0x2b: {  	_ =	swait.ge [sflag:s18], $0x2080  }
0x2c: {  	[sflag:s18] =	ssyncset.done $0x0  }
0x2d: {  	[sflag:s18] =	ssyncadd.s32 $0xFFFFDF80  }
0x2e: {  	s0 =	simm.s32 $0x0;
	[bflag:$0x0] =	sbarrier.arrive $0xFFFF  }
0x2f: {  	[tilespmem:s0], [sflag:$0x3] =	stream.linear.gather [hbm4b:s8+s0], $0x4F00, $0x38;
	[tilespmem:$0x1C100] =	vst v63  }
0x30: {  	_ =	swait.ge [sflag:s18], $0x4F00  }
0x31: {  	[sflag:s18] =	ssyncset.done $0x0  }
0x32: {  	[sflag:s18] =	ssyncadd.s32 $0xFFFFB100  }
0x33: {  	[tilespmem:s19], [sflag:$0x3] =	stream.linear.gather [hbm4b:s9+s0], $0x4F00, $0x38;
	[tilespmem:$0x1C100] =	vst v63  }
0x34: {  	_ =	swait.ge [sflag:s18], $0x4F00  }
0x35: {  	[sflag:s18] =	ssyncset.done $0x0  }
0x36: {  	[sflag:s18] =	ssyncadd.s32 $0xFFFFB100  }
0x37: {  	[tilespmem:s21], [sflag:$0x1] =	stream.indirect.gather [hbm4b:s4+s20], $0x80, s0, s20, $0xb8;
	[tilespmem:$0x1C100] =	vst v63  }
0x38: {  	s30 =	simm.s32 $0x80  }
0x39: {  	[tilespmem:s17], [sflag:$0x2] =	stream.indirect.gather [hbm4b:s4+s20], $0x80, s30, s20, $0xb8;
	[tilespmem:$0x1C100] =	vst v63  }
0x3a: {  	_ =	swait.ge [sflag:s22], $0x4000  }
0x3b: {  	[sflag:s22] =	ssyncset.done $0x0  }
0x3c: {  	s31 =	simm.s32 $0x0;
	[sflag:s22] =	ssyncadd.s32 $0xFFFFC000  }
0x3d: {  	v3 =	vld [tilespmem:s31+$0x5000];
	_ =	sdelay $0x4  }
0x3e: {  	vm0 =	vge.s32 v3, v0;
	vm1 =	vlt.s32 v3, v1  }
0x3f: {  	v3 =	vsub.s32 v3, v0;
	vm0 =	vmand vm0, vm1  }
0x40: {  	v3 =	vnsel vm0, $0x1400, v3  }
0x41: {  	[tilespmem:$0xA000] =	vst v3  }
0x42: {  	v3 =	vld [tilespmem:s31+$0x5010];
	_ =	sdelay $0x4  }
0x43: {  	vm10 =	vge.s32 v3, v0;
	vm11 =	vlt.s32 v3, v1  }
0x44: {  	v3 =	vsub.s32 v3, v0;
	vm0 =	vmand vm10, vm11  }
0x45: {  	v3 =	vnsel vm0, $0x1400, v3  }
0x46: {  	[tilespmem:$0xA010] =	vst v3  }
0x47: {  	v3 =	vld [tilespmem:s31+$0x5020];
	_ =	sdelay $0x4  }
0x48: {  	vm12 =	vge.s32 v3, v0;
	vm13 =	vlt.s32 v3, v1  }
0x49: {  	v3 =	vsub.s32 v3, v0;
	vm0 =	vmand vm12, vm13  }
0x4a: {  	v3 =	vnsel vm0, $0x1400, v3  }
0x4b: {  	[tilespmem:$0xA020] =	vst v3  }
0x4c: {  	v3 =	vld [tilespmem:s31+$0x5030];
	_ =	sdelay $0x4  }
0x4d: {  	vm14 =	vge.s32 v3, v0;
	vm15 =	vlt.s32 v3, v1  }
0x4e: {  	v3 =	vsub.s32 v3, v0;
	vm0 =	vmand vm14, vm15  }
0x4f: {  	v3 =	vnsel vm0, $0x1400, v3  }
0x50: {  	[tilespmem:$0xA030] =	vst v3  }
0x51: {  	v3 =	vld [tilespmem:s31+$0x5040];
	_ =	sdelay $0x4  }
0x52: {  	vm4 =	vge.s32 v3, v0;
	vm5 =	vlt.s32 v3, v1  }
0x53: {  	v3 =	vsub.s32 v3, v0;
	vm0 =	vmand vm4, vm5  }
0x54: {  	v3 =	vnsel vm0, $0x1400, v3  }
0x55: {  	[tilespmem:$0xA040] =	vst v3  }
0x56: {  	v3 =	vld [tilespmem:s31+$0x5050];
	_ =	sdelay $0x4  }
0x57: {  	vm6 =	vge.s32 v3, v0;
	vm7 =	vlt.s32 v3, v1  }
0x58: {  	v3 =	vsub.s32 v3, v0;
	vm0 =	vmand vm6, vm7  }
0x59: {  	v3 =	vnsel vm0, $0x1400, v3  }
0x5a: {  	[tilespmem:$0xA050] =	vst v3  }
0x5b: {  	v3 =	vld [tilespmem:s31+$0x5060];
	_ =	sdelay $0x4  }
0x5c: {  	vm8 =	vge.s32 v3, v0;
	vm9 =	vlt.s32 v3, v1  }
0x5d: {  	v3 =	vsub.s32 v3, v0;
	vm0 =	vmand vm8, vm9  }
0x5e: {  	v3 =	vnsel vm0, $0x1400, v3  }
0x5f: {  	[tilespmem:$0xA060] =	vst v3  }
0x60: {  	v3 =	vld [tilespmem:s31+$0x5070];
	_ =	sdelay $0x4  }
0x61: {  	vm10 =	vge.s32 v3, v0;
	vm11 =	vlt.s32 v3, v1  }
0x62: {  	v3 =	vsub.s32 v3, v0;
	vm0 =	vmand vm10, vm11  }
0x63: {  	v3 =	vnsel vm0, $0x1400, v3  }
0x64: {  	[tilespmem:$0xA070] =	vst v3  }
0x65: {  	[spmem:s2] =	stream.indirect.scatter.add.f32 [tilespmem:s21], [sflag:$0x3], $0x80, s23, s20, $0xb8;
	[tilespmem:$0x1C100] =	vst v63  }
0x66: {  	p0 =	por $0x0, $0x0;
	_ =	swait.ge [sflag:s18], $0x4000  }
0x67: {  	s28 =	simm.s32 @!p0 $0xA080;
	[sflag:s18] =	ssyncset.done $0x0  }
0x68: {  	s29 =	simm.s32 @!p0 $0x100;
	s30 =	simm.s32 @!p0 $0x80;
	[sflag:s18] =	ssyncadd.s32 $0xFFFFC000  }
0x69: {  	[tilespmem:s28], [sflag:$0x1] =	stream.indirect.gather @!p0 [hbm4b:s4+s30], $0x80, s29, s30, $0xb8;
	[tilespmem:$0x1C100] =	vst v63  }
0x6a: {  	_ =	swait.ge [sflag:s24], $0x4000  }
0x6b: {  	[sflag:s24] =	ssyncset.done $0x0  }
0x6c: {  	[sflag:s24] =	ssyncadd.s32 $0xFFFFC000  }
0x6d: {  	v3 =	vld [tilespmem:s31+$0x5080];
	_ =	sdelay $0x4  }
0x6e: {  	vm12 =	vge.s32 v3, v0;
	vm13 =	vlt.s32 v3, v1  }
0x6f: {  	v3 =	vsub.s32 v3, v0;
	vm0 =	vmand vm12, vm13  }
0x70: {  	v3 =	vnsel vm0, $0x1400, v3  }
0x71: {  	[tilespmem:$0xA000] =	vst v3  }
0x72: {  	v3 =	vld [tilespmem:s31+$0x5090];
	_ =	sdelay $0x4  }
0x73: {  	vm14 =	vge.s32 v3, v0;
	vm15 =	vlt.s32 v3, v1  }
0x74: {  	v3 =	vsub.s32 v3, v0;
	vm0 =	vmand vm14, vm15  }
0x75: {  	v3 =	vnsel vm0, $0x1400, v3  }
0x76: {  	[tilespmem:$0xA010] =	vst v3  }
0x77: {  	v3 =	vld [tilespmem:s31+$0x50A0];
	_ =	sdelay $0x4  }
0x78: {  	vm4 =	vge.s32 v3, v0;
	vm5 =	vlt.s32 v3, v1  }
0x79: {  	v3 =	vsub.s32 v3, v0;
	vm0 =	vmand vm4, vm5  }
0x7a: {  	v3 =	vnsel vm0, $0x1400, v3  }
0x7b: {  	[tilespmem:$0xA020] =	vst v3  }
0x7c: {  	v3 =	vld [tilespmem:s31+$0x50B0];
	_ =	sdelay $0x4  }
0x7d: {  	vm6 =	vge.s32 v3, v0;
	vm7 =	vlt.s32 v3, v1  }
0x7e: {  	v3 =	vsub.s32 v3, v0;
	vm0 =	vmand vm6, vm7  }
0x7f: {  	v3 =	vnsel vm0, $0x1400, v3  }
0x80: {  	[tilespmem:$0xA030] =	vst v3  }
0x81: {  	v3 =	vld [tilespmem:s31+$0x50C0];
	_ =	sdelay $0x4  }
0x82: {  	vm8 =	vge.s32 v3, v0;
	vm9 =	vlt.s32 v3, v1  }
0x83: {  	v3 =	vsub.s32 v3, v0;
	vm0 =	vmand vm8, vm9  }
0x84: {  	v3 =	vnsel vm0, $0x1400, v3  }
0x85: {  	[tilespmem:$0xA040] =	vst v3  }
0x86: {  	v3 =	vld [tilespmem:s31+$0x50D0];
	_ =	sdelay $0x4  }
0x87: {  	vm10 =	vge.s32 v3, v0;
	vm11 =	vlt.s32 v3, v1  }
0x88: {  	v3 =	vsub.s32 v3, v0;
	vm0 =	vmand vm10, vm11  }
0x89: {  	v3 =	vnsel vm0, $0x1400, v3  }
0x8a: {  	[tilespmem:$0xA050] =	vst v3  }
0x8b: {  	v3 =	vld [tilespmem:s31+$0x50E0];
	_ =	sdelay $0x4  }
0x8c: {  	vm12 =	vge.s32 v3, v0;
	vm13 =	vlt.s32 v3, v1  }
0x8d: {  	v3 =	vsub.s32 v3, v0;
	vm0 =	vmand vm12, vm13  }
0x8e: {  	v3 =	vnsel vm0, $0x1400, v3  }
0x8f: {  	[tilespmem:$0xA060] =	vst v3  }
0x90: {  	v3 =	vld [tilespmem:s31+$0x50F0];
	_ =	sdelay $0x4  }
0x91: {  	vm14 =	vge.s32 v3, v0;
	vm15 =	vlt.s32 v3, v1  }
0x92: {  	v3 =	vsub.s32 v3, v0;
	vm0 =	vmand vm14, vm15  }
0x93: {  	v3 =	vnsel vm0, $0x1400, v3  }
0x94: {  	[tilespmem:$0xA070] =	vst v3  }
0x95: {  	[spmem:s2] =	stream.indirect.scatter.add.f32 [tilespmem:s17], [sflag:$0x3], $0x80, s23, s20, $0xb8;
	[tilespmem:$0x1C100] =	vst v63  }
0x96: {  	s26 =	simm.s32 $0x100;
	_ =	swait.ge [sflag:s18], $0x4000  }
0x97: {  	s28 =	simm.s32 $0x400;
	s29 =	simm.s32 $0x800;
	[sflag:s18] =	ssyncset.done $0x0  }
.LBB2_4:
0x98: {  	s31 =	sadd.s32 $0x80, s26  }
0x99: {  	[sflag:s18] =	ssyncadd.s32 $0xFFFFC000;
	s30 =	smov.u32 s29;
	s29 =	sadd.s32 $0x400, s29  }
0x9a: {  	[tilespmem:s17], [sflag:$0x2] =	stream.indirect.gather [hbm4b:s4+s20], $0x80, s31, s20, $0xb8;
	[tilespmem:$0x1C100] =	vst v63  }
0x9b: {  	p0 =	sne.s32 s29, $0x13C00;
	_ =	swait.ge [sflag:s22], $0x4000  }
0x9c: {  	[sflag:s22] =	ssyncset.done $0x0  }
0x9d: {  	[sflag:s22] =	ssyncadd.s32 $0xFFFFC000  }
0x9e: {  	v3 =	vld [tilespmem:s26+$0x5000];
	_ =	sdelay $0x4  }
0x9f: {  	vm0 =	vge.s32 v3, v0;
	vm1 =	vlt.s32 v3, v1  }
0xa0: {  	v3 =	vsub.s32 v3, v0;
	vm0 =	vmand vm0, vm1  }
0xa1: {  	v3 =	vnsel vm0, $0x1400, v3  }
0xa2: {  	[tilespmem:$0xA000] =	vst v3  }
0xa3: {  	v3 =	vld [tilespmem:s26+$0x5010];
	_ =	sdelay $0x4  }
0xa4: {  	vm0 =	vge.s32 v3, v0;
	vm1 =	vlt.s32 v3, v1  }
0xa5: {  	v3 =	vsub.s32 v3, v0;
	vm0 =	vmand vm0, vm1  }
0xa6: {  	v3 =	vnsel vm0, $0x1400, v3  }
0xa7: {  	[tilespmem:$0xA010] =	vst v3  }
0xa8: {  	v3 =	vld [tilespmem:s26+$0x5020];
	_ =	sdelay $0x4  }
0xa9: {  	vm0 =	vge.s32 v3, v0;
	vm1 =	vlt.s32 v3, v1  }
0xaa: {  	v3 =	vsub.s32 v3, v0;
	vm0 =	vmand vm0, vm1  }
0xab: {  	v3 =	vnsel vm0, $0x1400, v3  }
0xac: {  	[tilespmem:$0xA020] =	vst v3  }
0xad: {  	v3 =	vld [tilespmem:s26+$0x5030];
	_ =	sdelay $0x4  }
0xae: {  	vm0 =	vge.s32 v3, v0;
	vm1 =	vlt.s32 v3, v1  }
0xaf: {  	v3 =	vsub.s32 v3, v0;
	vm0 =	vmand vm0, vm1  }
0xb0: {  	v3 =	vnsel vm0, $0x1400, v3  }
0xb1: {  	[tilespmem:$0xA030] =	vst v3  }
0xb2: {  	v3 =	vld [tilespmem:s26+$0x5040];
	_ =	sdelay $0x4  }
0xb3: {  	vm0 =	vge.s32 v3, v0;
	vm1 =	vlt.s32 v3, v1  }
0xb4: {  	v3 =	vsub.s32 v3, v0;
	vm0 =	vmand vm0, vm1  }
0xb5: {  	v3 =	vnsel vm0, $0x1400, v3  }
0xb6: {  	[tilespmem:$0xA040] =	vst v3  }
0xb7: {  	v3 =	vld [tilespmem:s26+$0x5050];
	_ =	sdelay $0x4  }
0xb8: {  	vm0 =	vge.s32 v3, v0;
	vm1 =	vlt.s32 v3, v1  }
0xb9: {  	v3 =	vsub.s32 v3, v0;
	vm0 =	vmand vm0, vm1  }
0xba: {  	v3 =	vnsel vm0, $0x1400, v3  }
0xbb: {  	[tilespmem:$0xA050] =	vst v3  }
0xbc: {  	v3 =	vld [tilespmem:s26+$0x5060];
	_ =	sdelay $0x4  }
0xbd: {  	vm0 =	vge.s32 v3, v0;
	vm1 =	vlt.s32 v3, v1  }
0xbe: {  	v3 =	vsub.s32 v3, v0;
	vm0 =	vmand vm0, vm1  }
0xbf: {  	v3 =	vnsel vm0, $0x1400, v3  }
0xc0: {  	[tilespmem:$0xA060] =	vst v3  }
0xc1: {  	v3 =	vld [tilespmem:s26+$0x5070];
	_ =	sdelay $0x4  }
0xc2: {  	vm0 =	vge.s32 v3, v0;
	vm1 =	vlt.s32 v3, v1  }
0xc3: {  	v3 =	vsub.s32 v3, v0;
	vm0 =	vmand vm0, vm1  }
0xc4: {  	v3 =	vnsel vm0, $0x1400, v3  }
0xc5: {  	[tilespmem:$0xA070] =	vst v3  }
0xc6: {  	[spmem:s2] =	stream.indirect.scatter.add.f32 [tilespmem:s21], [sflag:$0x3], $0x80, s23, s20, $0xb8;
	[tilespmem:$0x1C100] =	vst v63  }
0xc7: {  	p1 =	seq.s32 s28, $0x13800;
	_ =	swait.ge [sflag:s18], $0x4000  }
0xc8: {  	s28 =	sshra.s32 @!p1 s28, $0x2;
	s31 =	simm.s32 @!p1 $0xA080;
	[sflag:s18] =	ssyncset.done $0x0  }
0xc9: {  	s0 =	simm.s32 @!p1 $0x80;
	s28 =	sadd.s32 @!p1 $0x100, s28;
	[sflag:s18] =	ssyncadd.s32 $0xFFFFC000  }
0xca: {  	[tilespmem:s31], [sflag:$0x1] =	stream.indirect.gather @!p1 [hbm4b:s4+s0], $0x80, s28, s0, $0xb8;
	[tilespmem:$0x1C100] =	vst v63  }
0xcb: {  	s28 =	smov.u32 s30;
	_ =	swait.ge [sflag:s24], $0x4000  }
0xcc: {  	[sflag:s24] =	ssyncset.done $0x0  }
0xcd: {  	[sflag:s24] =	ssyncadd.s32 $0xFFFFC000  }
0xce: {  	v3 =	vld [tilespmem:s26+$0x5080];
	_ =	sdelay $0x4  }
0xcf: {  	vm0 =	vge.s32 v3, v0;
	vm1 =	vlt.s32 v3, v1  }
0xd0: {  	v3 =	vsub.s32 v3, v0;
	vm0 =	vmand vm0, vm1  }
0xd1: {  	v3 =	vnsel vm0, $0x1400, v3  }
0xd2: {  	[tilespmem:$0xA000] =	vst v3  }
0xd3: {  	v3 =	vld [tilespmem:s26+$0x5090];
	_ =	sdelay $0x4  }
0xd4: {  	vm0 =	vge.s32 v3, v0;
	vm1 =	vlt.s32 v3, v1  }
0xd5: {  	v3 =	vsub.s32 v3, v0;
	vm0 =	vmand vm0, vm1  }
0xd6: {  	v3 =	vnsel vm0, $0x1400, v3  }
0xd7: {  	[tilespmem:$0xA010] =	vst v3  }
0xd8: {  	v3 =	vld [tilespmem:s26+$0x50A0];
	_ =	sdelay $0x4  }
0xd9: {  	vm0 =	vge.s32 v3, v0;
	vm1 =	vlt.s32 v3, v1  }
0xda: {  	v3 =	vsub.s32 v3, v0;
	vm0 =	vmand vm0, vm1  }
0xdb: {  	v3 =	vnsel vm0, $0x1400, v3  }
0xdc: {  	[tilespmem:$0xA020] =	vst v3  }
0xdd: {  	v3 =	vld [tilespmem:s26+$0x50B0];
	_ =	sdelay $0x4  }
0xde: {  	vm0 =	vge.s32 v3, v0;
	vm1 =	vlt.s32 v3, v1  }
0xdf: {  	v3 =	vsub.s32 v3, v0;
	vm0 =	vmand vm0, vm1  }
0xe0: {  	v3 =	vnsel vm0, $0x1400, v3  }
0xe1: {  	[tilespmem:$0xA030] =	vst v3  }
0xe2: {  	v3 =	vld [tilespmem:s26+$0x50C0];
	_ =	sdelay $0x4  }
0xe3: {  	vm0 =	vge.s32 v3, v0;
	vm1 =	vlt.s32 v3, v1  }
0xe4: {  	v3 =	vsub.s32 v3, v0;
	vm0 =	vmand vm0, vm1  }
0xe5: {  	v3 =	vnsel vm0, $0x1400, v3  }
0xe6: {  	[tilespmem:$0xA040] =	vst v3  }
0xe7: {  	v3 =	vld [tilespmem:s26+$0x50D0];
	_ =	sdelay $0x4  }
0xe8: {  	vm0 =	vge.s32 v3, v0;
	vm1 =	vlt.s32 v3, v1  }
0xe9: {  	v3 =	vsub.s32 v3, v0;
	vm0 =	vmand vm0, vm1  }
0xea: {  	v3 =	vnsel vm0, $0x1400, v3  }
0xeb: {  	[tilespmem:$0xA050] =	vst v3  }
0xec: {  	v3 =	vld [tilespmem:s26+$0x50E0];
	_ =	sdelay $0x4  }
0xed: {  	vm0 =	vge.s32 v3, v0;
	vm1 =	vlt.s32 v3, v1  }
0xee: {  	v3 =	vsub.s32 v3, v0;
	vm0 =	vmand vm0, vm1  }
0xef: {  	v3 =	vnsel vm0, $0x1400, v3  }
0xf0: {  	[tilespmem:$0xA060] =	vst v3  }
0xf1: {  	v3 =	vld [tilespmem:s26+$0x50F0];
	_ =	sdelay $0x4  }
0xf2: {  	vm0 =	vge.s32 v3, v0;
	vm1 =	vlt.s32 v3, v1  }
0xf3: {  	v3 =	vsub.s32 v3, v0;
	vm0 =	vmand vm0, vm1  }
.Ltmp1:
0xf4: {  	v3 =	vnsel vm0, $0x1400, v3;
	(pc) =	sbr.rel @p0 .LBB2_4-.Ltmp1, $4  }
0xf5: {  	[tilespmem:$0xA070] =	vst v3  }
0xf6: {  	[spmem:s2] =	stream.indirect.scatter.add.f32 [tilespmem:s17], [sflag:$0x3], $0x80, s23, s20, $0xb8;
	[tilespmem:$0x1C100] =	vst v63  }
0xf7: {  	_ =	swait.ge [sflag:s18], $0x4000  }
0xf8: {  	s26 =	sshra.s32 s28, $0x2;
	[sflag:s18] =	ssyncset.done $0x0  }
0xf9: {  	s0 =	sadd.s32 $0x80, s26;
	[sflag:s18] =	ssyncadd.s32 $0xFFFFC000  }
0xfa: {  	[tilespmem:s17], [sflag:$0x2] =	stream.indirect.gather [hbm4b:s4+s20], $0x80, s0, s20, $0xb8;
	[tilespmem:$0x1C100] =	vst v63  }
0xfb: {  	_ =	swait.ge [sflag:s22], $0x4000  }
0xfc: {  	[sflag:s22] =	ssyncset.done $0x0  }
0xfd: {  	[sflag:s22] =	ssyncadd.s32 $0xFFFFC000  }
0xfe: {  	v3 =	vld [tilespmem:s26+$0x5000];
	_ =	sdelay $0x4  }
0xff: {  	vm0 =	vge.s32 v3, v0;
	vm1 =	vlt.s32 v3, v1  }
0x100: {  	v3 =	vsub.s32 v3, v0;
	vm0 =	vmand vm0, vm1  }
0x101: {  	v3 =	vnsel vm0, $0x1400, v3  }
0x102: {  	[tilespmem:$0xA000] =	vst v3  }
0x103: {  	v3 =	vld [tilespmem:s26+$0x5010];
	_ =	sdelay $0x4  }
0x104: {  	vm10 =	vge.s32 v3, v0;
	vm11 =	vlt.s32 v3, v1  }
0x105: {  	v3 =	vsub.s32 v3, v0;
	vm0 =	vmand vm10, vm11  }
0x106: {  	v3 =	vnsel vm0, $0x1400, v3  }
0x107: {  	[tilespmem:$0xA010] =	vst v3  }
0x108: {  	v3 =	vld [tilespmem:s26+$0x5020];
	_ =	sdelay $0x4  }
0x109: {  	vm12 =	vge.s32 v3, v0;
	vm13 =	vlt.s32 v3, v1  }
0x10a: {  	v3 =	vsub.s32 v3, v0;
	vm0 =	vmand vm12, vm13  }
0x10b: {  	v3 =	vnsel vm0, $0x1400, v3  }
0x10c: {  	[tilespmem:$0xA020] =	vst v3  }
0x10d: {  	v3 =	vld [tilespmem:s26+$0x5030];
	_ =	sdelay $0x4  }
0x10e: {  	vm14 =	vge.s32 v3, v0;
	vm15 =	vlt.s32 v3, v1  }
0x10f: {  	v3 =	vsub.s32 v3, v0;
	vm0 =	vmand vm14, vm15  }
0x110: {  	v3 =	vnsel vm0, $0x1400, v3  }
0x111: {  	[tilespmem:$0xA030] =	vst v3  }
0x112: {  	v3 =	vld [tilespmem:s26+$0x5040];
	_ =	sdelay $0x4  }
0x113: {  	vm4 =	vge.s32 v3, v0;
	vm5 =	vlt.s32 v3, v1  }
0x114: {  	v3 =	vsub.s32 v3, v0;
	vm0 =	vmand vm4, vm5  }
0x115: {  	v3 =	vnsel vm0, $0x1400, v3  }
0x116: {  	[tilespmem:$0xA040] =	vst v3  }
0x117: {  	v3 =	vld [tilespmem:s26+$0x5050];
	_ =	sdelay $0x4  }
0x118: {  	vm6 =	vge.s32 v3, v0;
	vm7 =	vlt.s32 v3, v1  }
0x119: {  	v3 =	vsub.s32 v3, v0;
	vm0 =	vmand vm6, vm7  }
0x11a: {  	v3 =	vnsel vm0, $0x1400, v3  }
0x11b: {  	[tilespmem:$0xA050] =	vst v3  }
0x11c: {  	v3 =	vld [tilespmem:s26+$0x5060];
	_ =	sdelay $0x4  }
0x11d: {  	vm8 =	vge.s32 v3, v0;
	vm9 =	vlt.s32 v3, v1  }
0x11e: {  	v3 =	vsub.s32 v3, v0;
	vm0 =	vmand vm8, vm9  }
0x11f: {  	v3 =	vnsel vm0, $0x1400, v3  }
0x120: {  	[tilespmem:$0xA060] =	vst v3  }
0x121: {  	v3 =	vld [tilespmem:s26+$0x5070];
	_ =	sdelay $0x4  }
0x122: {  	vm10 =	vge.s32 v3, v0;
	vm11 =	vlt.s32 v3, v1  }
0x123: {  	v3 =	vsub.s32 v3, v0;
	vm0 =	vmand vm10, vm11  }
0x124: {  	v3 =	vnsel vm0, $0x1400, v3  }
0x125: {  	[tilespmem:$0xA070] =	vst v3  }
0x126: {  	[spmem:s2] =	stream.indirect.scatter.add.f32 [tilespmem:s21], [sflag:$0x3], $0x80, s23, s20, $0xb8;
	[tilespmem:$0x1C100] =	vst v63  }
0x127: {  	p0 =	seq.s32 s28, $0x13800;
	_ =	swait.ge [sflag:s18], $0x4000  }
0x128: {  	s0 =	sshra.s32 @!p0 s28, $0x2;
	s28 =	simm.s32 @!p0 $0xA080;
	[sflag:s18] =	ssyncset.done $0x0  }
0x129: {  	s29 =	simm.s32 @!p0 $0x80;
	s0 =	sadd.s32 @!p0 $0x100, s0;
	[sflag:s18] =	ssyncadd.s32 $0xFFFFC000  }
0x12a: {  	[tilespmem:s28], [sflag:$0x1] =	stream.indirect.gather @!p0 [hbm4b:s4+s29], $0x80, s0, s29, $0xb8;
	[tilespmem:$0x1C100] =	vst v63  }
0x12b: {  	_ =	swait.ge [sflag:s24], $0x4000  }
0x12c: {  	[sflag:s24] =	ssyncset.done $0x0  }
0x12d: {  	[sflag:s24] =	ssyncadd.s32 $0xFFFFC000  }
0x12e: {  	v3 =	vld [tilespmem:s26+$0x5080];
	_ =	sdelay $0x4  }
0x12f: {  	vm12 =	vge.s32 v3, v0;
	vm13 =	vlt.s32 v3, v1  }
0x130: {  	v3 =	vsub.s32 v3, v0;
	vm0 =	vmand vm12, vm13  }
0x131: {  	v3 =	vnsel vm0, $0x1400, v3  }
0x132: {  	[tilespmem:$0xA000] =	vst v3  }
0x133: {  	v3 =	vld [tilespmem:s26+$0x5090];
	_ =	sdelay $0x4  }
0x134: {  	vm14 =	vge.s32 v3, v0;
	vm15 =	vlt.s32 v3, v1  }
0x135: {  	v3 =	vsub.s32 v3, v0;
	vm0 =	vmand vm14, vm15  }
0x136: {  	v3 =	vnsel vm0, $0x1400, v3  }
0x137: {  	[tilespmem:$0xA010] =	vst v3  }
0x138: {  	v3 =	vld [tilespmem:s26+$0x50A0];
	_ =	sdelay $0x4  }
0x139: {  	vm4 =	vge.s32 v3, v0;
	vm5 =	vlt.s32 v3, v1  }
0x13a: {  	v3 =	vsub.s32 v3, v0;
	vm0 =	vmand vm4, vm5  }
0x13b: {  	v3 =	vnsel vm0, $0x1400, v3  }
0x13c: {  	[tilespmem:$0xA020] =	vst v3  }
0x13d: {  	v3 =	vld [tilespmem:s26+$0x50B0];
	_ =	sdelay $0x4  }
0x13e: {  	vm6 =	vge.s32 v3, v0;
	vm7 =	vlt.s32 v3, v1  }
0x13f: {  	v3 =	vsub.s32 v3, v0;
	vm0 =	vmand vm6, vm7  }
0x140: {  	v3 =	vnsel vm0, $0x1400, v3  }
0x141: {  	[tilespmem:$0xA030] =	vst v3  }
0x142: {  	v3 =	vld [tilespmem:s26+$0x50C0];
	_ =	sdelay $0x4  }
0x143: {  	vm8 =	vge.s32 v3, v0;
	vm9 =	vlt.s32 v3, v1  }
0x144: {  	v3 =	vsub.s32 v3, v0;
	vm0 =	vmand vm8, vm9  }
0x145: {  	v3 =	vnsel vm0, $0x1400, v3  }
0x146: {  	[tilespmem:$0xA040] =	vst v3  }
0x147: {  	v3 =	vld [tilespmem:s26+$0x50D0];
	_ =	sdelay $0x4  }
0x148: {  	vm10 =	vge.s32 v3, v0;
	vm11 =	vlt.s32 v3, v1  }
0x149: {  	v3 =	vsub.s32 v3, v0;
	vm0 =	vmand vm10, vm11  }
0x14a: {  	v3 =	vnsel vm0, $0x1400, v3  }
0x14b: {  	[tilespmem:$0xA050] =	vst v3  }
0x14c: {  	v3 =	vld [tilespmem:s26+$0x50E0];
	_ =	sdelay $0x4  }
0x14d: {  	vm12 =	vge.s32 v3, v0;
	vm13 =	vlt.s32 v3, v1  }
0x14e: {  	v3 =	vsub.s32 v3, v0;
	vm0 =	vmand vm12, vm13  }
0x14f: {  	v3 =	vnsel vm0, $0x1400, v3  }
0x150: {  	[tilespmem:$0xA060] =	vst v3  }
0x151: {  	v3 =	vld [tilespmem:s26+$0x50F0];
	_ =	sdelay $0x4  }
0x152: {  	vm14 =	vge.s32 v3, v0;
	vm15 =	vlt.s32 v3, v1  }
0x153: {  	v3 =	vsub.s32 v3, v0;
	vm0 =	vmand vm14, vm15  }
0x154: {  	v3 =	vnsel vm0, $0x1400, v3  }
0x155: {  	[tilespmem:$0xA070] =	vst v3  }
0x156: {  	[spmem:s2] =	stream.indirect.scatter.add.f32 [tilespmem:s17], [sflag:$0x3], $0x80, s23, s20, $0xb8;
	[tilespmem:$0x1C100] =	vst v63  }
0x157: {  	_ =	swait.ge [sflag:s18], $0x4000  }
0x158: {  	[sflag:s18] =	ssyncset.done $0x0  }
0x159: {  	[sflag:s18] =	ssyncadd.s32 $0xFFFFC000  }
0x15a: {  	[bflag:$0x0] =	sbarrier.arrive $0xFFFF  }
0x15b: {  	[tilespmem:s17], [sflag:$0x3] =	stream.linear.gather [spmem:s10], $0x4000, $0x38;
	[tilespmem:$0x1C100] =	vst v63  }
0x15c: {  	_ =	swait.ge [sflag:s18], $0x4000  }
0x15d: {  	[sflag:s18] =	ssyncset.done $0x0  }
0x15e: {  	[sflag:s18] =	ssyncadd.s32 $0xFFFFC000  }
0x15f: {  	[hbm4b:s11+s3] =	stream.linear.scatter [tilespmem:s17], [sflag:$0x3], $0x4000, $0x38;
	[tilespmem:$0x1C100] =	vst v63  }
0x160: {  	_ =	swait.ge [sflag:s18], $0x4000  }
0x161: {  	[sflag:s18] =	ssyncset.done $0x0  }
0x162: {  	[sflag:s18] =	ssyncadd.s32 $0xFFFFC000  }
0x163: {  	[tilespmem:s17], [sflag:$0x3] =	stream.linear.gather [spmem:s12], $0x4000, $0x38;
	[tilespmem:$0x1C100] =	vst v63  }
0x164: {  	_ =	swait.ge [sflag:s18], $0x4000  }
0x165: {  	[sflag:s18] =	ssyncset.done $0x0  }
0x166: {  	[sflag:s18] =	ssyncadd.s32 $0xFFFFC000  }
0x167: {  	[hbm4b:s13+s3] =	stream.linear.scatter [tilespmem:s17], [sflag:$0x3], $0x4000, $0x38;
	[tilespmem:$0x1C100] =	vst v63  }
0x168: {  	_ =	swait.ge [sflag:s18], $0x4000  }
0x169: {  	[sflag:s18] =	ssyncset.done $0x0  }
0x16a: {  	[sflag:s18] =	ssyncadd.s32 $0xFFFFC000  }
0x16b: {  	[tilespmem:s17], [sflag:$0x3] =	stream.linear.gather [spmem:s14], $0x2000, $0x38;
	[tilespmem:$0x1C100] =	vst v63  }
0x16c: {  	s25 =	sadd.s32 $0x1, s25;
	_ =	swait.ge [sflag:s18], $0x2000  }
0x16d: {  	p0 =	sne.s32 s25, s16;
	[sflag:s18] =	ssyncset.done $0x0  }
.Ltmp2:
0x16e: {  	[sflag:s18] =	ssyncadd.s32 $0xFFFFE000;
	(pc) =	sbr.rel @p0 .LBB2_1-.Ltmp2, $4  }
0x16f: {  	[hbm4b:s15+s3] =	stream.linear.scatter [tilespmem:s17], [sflag:$0x3], $0x2000, $0x38;
	[tilespmem:$0x1C100] =	vst v63  }
0x170: {  	_ =	swait.ge [sflag:s18], $0x2000  }
0x171: {  	[sflag:s18] =	ssyncset.done $0x0  }
0x172: {  	[sflag:s18] =	ssyncadd.s32 $0xFFFFE000  }
0x173: {  	_ =	sfence.sel $0x180000  }
0x174: {  	[bflag:$0x0] =	sbarrier.arrive $0xFFFF  }
0x175: {  	_ =	strace $0x9000004D  }
0x176: {  	[bflag:$0x2] =	sbarrier.arrive $0xFFFF  }
0x177: {  	p0 =	sne.s32 s1, $0x0;
	s0 =	rddreg [dreg:$0x2]  }
0x178: {  	s0 =	sadd.s32 @!p0 $0x100000, s0  }
0x179: {  	[sflag:s0] =	ssyncadd.tile.s32 @!p0 $0x1;
	_ =	shalt  }
.Lfunc_end2:
_tile_overlayer_lowered:
.L_overlay_start_2:
0x17a: {  	(tag) =	ssettag $0x2  }
0x17b: {  	s0 =	rddreg [dreg:$0x0];
	s2 =	stileid.u32  }
0x17c: {  	s1 =	rddreg [dreg:$0x1];
	p0 =	sne.s32 s2, $0x0  }
0x17d: {  	s3 =	rddreg [dreg:$0x2];
	[bflag:$0x3] =	sbarrier.arrive $0xFFFF;
	s2 =	simm.s32 @!p0 $0x1C03  }
0x17e: {  	[timem:s3], [sflag:s2] =	dma.local @!p0 [hbm:s0], s1  }
0x17f: {  	s0 =	simm.s32 @!p0 $0x3  }
0x180: {  	_ =	swait.ge @!p0 [sflag:s0], s1  }
0x181: {  	s1 =	ssub.s32 @!p0 $0x0, s1;
	[sflag:s0] =	ssyncset.done @!p0 $0x0  }
0x182: {  	[sflag:s0] =	ssyncadd.s32 @!p0 s1  }
0x183: {  	[bflag:$0x3] =	sbarrier.arrive $0xFFFF  }
0x184: {  	_ =	shalt  }

// kernel: kernel.5.cloned.1.call-start
scs
__scs_entry_jumppad:
0x0: {  	(pc) =	sbr.rel $0x88, $3  }
0x1: {  	(tag) =	ssettag $0x0;
	lr =	simm.s32 $0x1  }
0x2: {  	[smem:$0x3F93] =	sst lr;
	_ =	strace $0xD0000000  }
0x3: {  	_ = 	snop  }
0x4: {  	_ = 	snop  }
0x5: {  	_ = 	snop  }
0x6: {  	_ = 	snop  }
0x7: {  	_ = 	snop  }
__scs_overlays_trampoline_lowered:
0x8: {  	[smem:$0x3FA2] =	sst s0  }
0x9: {  	[smem:$0x3FA3] =	sst s1  }
0xa: {  	[smem:$0x3FA4] =	sst s2  }
0xb: {  	[smem:$0x3FA5] =	sst s3  }
0xc: {  	[smem:$0x3FA6] =	sst s4  }
0xd: {  	[smem:$0x3FA7] =	sst s5  }
0xe: {  	[smem:$0x3FA8] =	sst s6  }
0xf: {  	[smem:$0x3FA9] =	sst s7  }
0x10: {  	[smem:$0x3FAA] =	sst s8  }
0x11: {  	[smem:$0x3FAB] =	sst s9;
	s0 =	simm.s32 @!p0 $0x0  }
0x12: {  	s1 =	sld [smem:$0x3F91];
	s0 =	simm.s32 @p0 $0x1  }
0x13: {  	[smem:$0x3FAC] =	sst s0;
	s0 =	simm.s32 @!p1 $0x0  }
0x14: {  	s2 =	sld [smem:$0x3F90];
	s0 =	simm.s32 @p1 $0x1  }
0x15: {  	[smem:$0x3FAD] =	sst s0;
	s0 =	simm.s32 @!p2 $0x0  }
0x16: {  	s3 =	sld [smem:$0x3FDB];
	s0 =	simm.s32 @p2 $0x1  }
0x17: {  	s4 =	simm.s32 $0x1BF5;
	[smem:$0x3FAF] =	sst s0  }
0x18: {  	s0 =	sld [smem:$0x3F92];
	_ =	swait.ge [sflag:s4], $0x0  }
0x19: {  	s7 =	sld [smem:$0x3F93]  }
0x1a: {  	s8 =	sadd.s32 $0xFFFFE003, lr  }
0x1b: {  	s9 =	sadd.s32 $0xFFFFFEF7, lr;
	s5 =	simm.s32 $0xFFFFFFFF;
	p2 =	slt.u32 s8, $0xFFFFF086  }
0x1c: {  	p1 =	slt.u32 s9, $0xF7A;
	s5 =	simm.s32 @!p2 $0x0  }
0x1d: {  	s5 =	simm.s32 @p1 $0x1;
	p0 =	seq.s32 s7, s2  }
0x1e: {  	s7 =	smul.u32 @!p0 $0xF7A, s2;
	p2 =	seq.s32 @!p0 s5, $0x0  }
0x1f: {  	s9 =	smul.u32 $0xF7A, s1;
	s8 =	simm.s32 @!p0 $0x1BF5;
	p2 =	por !p2, p0  }
0x20: {  	[sflag:s8] =	ssyncset.s32 @!p0 $0xFFFFF086;
	s6 =	sadd.s32 @!p0 s3, s7;
	s7 =	simm.s32 @!p0 $0x108  }
0x21: {  	s3 =	sadd.s32 s3, s9;
	s6 =	sadd.s32 @!p0 $0x88, s6;
	s7 =	simm.s32 @p2 $0x1082  }
0x22: {  	[simem:s7], [sflag:s8] =	dma.local @!p0 [hbm:s6], $0xF7A  }
0x23: {  	s9 =	sor.u32 $0xD0000000, s2;
	s6 =	simm.s32 $0x108;
	_ =	swait.ge @!p0 [sflag:s8], $0x0  }
0x24: {  	s3 =	sadd.s32 $0x88, s3;
	s6 =	simm.s32 @!p1 $0x1082;
	[sflag:s4] =	ssyncset.s32 $0xFFFFF086  }
0x25: {  	[simem:s6], [sflag:s4] =	dma.local [hbm:s3], $0xF7A  }
0x26: {  	[smem:$0x3F93] =	sst s1;
	(tag) =	ssettag s2;
	_ =	strace s9  }
0x27: {  	s1 =	sld [smem:$0x3FA3]  }
0x28: {  	s2 =	sld [smem:$0x3FA4]  }
0x29: {  	s4 =	sld [smem:$0x3FA6]  }
0x2a: {  	p0 =	seq.s32 s5, $0x0;
	s5 =	sld [smem:$0x3FA7]  }
0x2b: {  	s6 =	sld [smem:$0x3FA8]  }
0x2c: {  	s7 =	sld [smem:$0x3FA9]  }
0x2d: {  	s3 =	simm.s32 $0x108;
	s8 =	sld [smem:$0x3FAA]  }
0x2e: {  	s3 =	simm.s32 @!p0 $0x1082;
	s9 =	sld [smem:$0x3FAB]  }
0x2f: {  	lr =	sadd.s32 s0, s3;
	s0 =	sld [smem:$0x3FA2]  }
0x30: {  	s3 =	sld [smem:$0x3FA5]  }
0x31: {  	[smem:$0x3FAE] =	sst s10  }
0x32: {  	s10 =	sld [smem:$0x3FAC];
	_ =	sdelay $0x3  }
0x33: {  	p0 =	seq.s32 s10, $0x1;
	s10 =	sld [smem:$0x3FAE];
	_ =	sdelay $0x3  }
0x34: {  	[smem:$0x3FAE] =	sst s10  }
0x35: {  	s10 =	sld [smem:$0x3FAD];
	_ =	sdelay $0x3  }
0x36: {  	p1 =	seq.s32 s10, $0x1;
	s10 =	sld [smem:$0x3FAE];
	_ =	sdelay $0x3  }
0x37: {  	[smem:$0x3FAE] =	sst s10  }
0x38: {  	s10 =	sld [smem:$0x3FAF]  }
0x39: {  	_ = 	snop;
	(pc) =	sbr.ind lr, $3  }
0x3a: {  	_ = 	snop  }
0x3b: {  	_ = 	snop  }
0x3c: {  	p2 =	seq.s32 s10, $0x1;
	s10 =	sld [smem:$0x3FAE]  }
0x3d: {  	_ =	shalt  }
0x3e: {  	_ =	shalt  }
0x3f: {  	_ =	shalt  }
0x40: {  	_ =	shalt  }
0x41: {  	_ =	shalt  }
0x42: {  	_ =	shalt  }
0x43: {  	_ =	shalt  }
0x44: {  	_ =	shalt  }
0x45: {  	_ =	shalt  }
0x46: {  	_ =	shalt  }
0x47: {  	_ =	shalt  }
0x48: {  	_ =	shalt  }
0x49: {  	_ =	shalt  }
0x4a: {  	_ =	shalt  }
0x4b: {  	_ =	shalt  }
0x4c: {  	_ =	shalt  }
0x4d: {  	_ =	shalt  }
0x4e: {  	_ =	shalt  }
0x4f: {  	_ =	shalt  }
0x50: {  	_ =	shalt  }
0x51: {  	_ =	shalt  }
0x52: {  	_ =	shalt  }
0x53: {  	_ =	shalt  }
0x54: {  	_ =	shalt  }
0x55: {  	_ =	shalt  }
0x56: {  	_ =	shalt  }
0x57: {  	_ =	shalt  }
0x58: {  	_ =	shalt  }
0x59: {  	_ =	shalt  }
0x5a: {  	_ =	shalt  }
0x5b: {  	_ =	shalt  }
0x5c: {  	_ =	shalt  }
0x5d: {  	_ =	shalt  }
0x5e: {  	_ =	shalt  }
0x5f: {  	_ =	shalt  }
0x60: {  	_ =	shalt  }
0x61: {  	_ =	shalt  }
0x62: {  	_ =	shalt  }
0x63: {  	_ =	shalt  }
0x64: {  	_ =	shalt  }
0x65: {  	_ =	shalt  }
0x66: {  	_ =	shalt  }
0x67: {  	_ =	shalt  }
0x68: {  	_ =	shalt  }
0x69: {  	_ =	shalt  }
0x6a: {  	_ =	shalt  }
0x6b: {  	_ =	shalt  }
0x6c: {  	_ =	shalt  }
0x6d: {  	_ =	shalt  }
0x6e: {  	_ =	shalt  }
0x6f: {  	_ =	shalt  }
0x70: {  	_ =	shalt  }
0x71: {  	_ =	shalt  }
0x72: {  	_ =	shalt  }
0x73: {  	_ =	shalt  }
0x74: {  	_ =	shalt  }
0x75: {  	_ =	shalt  }
0x76: {  	_ =	shalt  }
0x77: {  	_ =	shalt  }
0x78: {  	_ =	shalt  }
0x79: {  	_ =	shalt  }
0x7a: {  	_ =	shalt  }
0x7b: {  	_ =	shalt  }
0x7c: {  	_ =	shalt  }
0x7d: {  	_ =	shalt  }
0x7e: {  	_ =	shalt  }
0x7f: {  	_ =	shalt  }
0x80: {  	_ =	shalt  }
0x81: {  	_ =	shalt  }
0x82: {  	_ =	shalt  }
0x83: {  	_ =	shalt  }
0x84: {  	_ =	shalt  }
0x85: {  	_ =	shalt  }
0x86: {  	_ =	shalt  }
0x87: {  	_ =	shalt  }
.Lfunc_end0:
.L_simem_size_0:
called_computation.1_lowered:
.L_overlay_start_0:
0x88: {  	s2 =	sld [smem:$0x3FD9]  }
0x89: {  	s3 =	sld [smem:$0x3FFE];
	_ =	sdelay $0x1  }
0x8a: {  	s1 =	srdreg.scid  }
0x8b: {  	s0 =	sand.u32 $0x1, s1  }
0x8c: {  	s17 =	sshll.u32 s0, $0xA;
	s2 =	sadd.s32 s3, s2  }
0x8d: {  	s2 =	sadd.s32 s2, s17  }
0x8e: {  	[smem:$0x3FBA] =	sst s2  }
0x8f: {  	_ = 	snop  }
0x90: {  	s2 =	sld [smem:$0x3FC6];
	(tm) =	ssettm $0x1  }
0x91: {  	s18 =	sld [smem:$0x3FFB];
	_ =	sdelay $0x3  }
0x92: {  	_ =	strace s18  }
0x93: {  	s3 =	sld [smem:$0x3FFC];
	_ =	sdelay $0x3  }
0x94: {  	_ =	strace s3  }
0x95: {  	s3 =	sld [smem:$0x3FFD];
	_ =	sdelay $0x3  }
0x96: {  	_ =	strace s3  }
0x97: {  	_ =	strace $0x8FFFFFFF  }
0x98: {  	s19 =	sld [smem:$0x3FDB];
	_ =	sdelay $0x1  }
0x99: {  	s4 =	simm.s32 $_scs_section_size  }
0x9a: {  	s5 =	simm.s32 $_size__tile_overlayer_lowered;
	s6 =	simm.s32 $_tile_overlayer_lowered  }
0x9b: {  	s22 =	simm.s32 $0x1BFF;
	s21 =	sshll.u32 s6, $0x1;
	s3 =	sadd.s32 s4, s19  }
0x9c: {  	s7 =	simm.s32 $0x0;
	s20 =	sshll.u32 s5, $0x1;
	s5 =	sadd.s32 s21, s3  }
0x9d: {  	[timem:s7], [sflag:s22] =	dma.local [hbm:s5], s20  }
0x9e: {  	_ =	swait.ge [sflag:s22], s20  }
0x9f: {  	s4 =	ssub.s32 $0x0, s20;
	[sflag:s22] =	ssyncset.done $0x0  }
0xa0: {  	[sflag:s22] =	ssyncadd.s32 s4;
	_ =	sdelay $0x1  }
0xa1: {  	s23 =	simm.s32 $0x1B8B  }
0xa2: {  	_ =	swait.ge [sflag:s23], $0x1  }
0xa3: {  	[sflag:s23] =	ssyncset.done $0x0  }
0xa4: {  	s25 =	simm.s32 $0x1B8E;
	s24 =	sld [smem:$0x3FFE];
	[sflag:s23] =	ssyncadd.s32 $0xFFFFFFFF  }
0xa5: {  	s26 =	simm.s32 $execute0_lowered;
	[smem:$0x3FD2] =	sst s25  }
0xa6: {  	s5 =	sshll.u32 s26, $0x1;
	_ =	strace $0x80000046;
	[dreg:$0x1] =	wrdreg $0xFFFFFFFF  }
0xa7: {  	s28 =	simm.s32 $_size_execute0_lowered;
	s3 =	sadd.s32 s3, s5;
	[dreg:$0x0] =	wrdreg $0x0  }
0xa8: {  	s5 =	sshll.u32 s28, $0x1;
	[dreg:$0x2] =	wrdreg s3  }
0xa9: {  	[dreg:$0x3] =	wrdreg s5  }
0xaa: {  	[dreg:$0x4] =	wrdreg $0xC0  }
0xab: {  	_ =	task [dreg:s7], $0x5FFFF  }
0xac: {  	[dreg:$0x1] =	wrdreg $0xFFFFFFFF  }
0xad: {  	[dreg:$0x0] =	wrdreg $0x60  }
0xae: {  	[dreg:$0x2] =	wrdreg s24  }
0xaf: {  	[dreg:$0x3] =	wrdreg s2  }
0xb0: {  	[dreg:$0x4] =	wrdreg $0x9  }
0xb1: {  	_ =	task.clear_ibuf [dreg:s7], $0x5FFFF;
	_ =	strace $0x90000046  }
0xb2: {  	s29 =	simm.s32 $0x9;
	_ =	strace $0x80000048  }
0xb3: {  	_ =	swait.ge [sflag:s29], $0x1  }
0xb4: {  	[sflag:s29] =	ssyncadd.s32 $0xFFFFFFFF  }
0xb5: {  	_ =	strace $0x90000048  }
0xb6: {  	_ =	sfence  }
0xb7: {  	s30 =	sld [smem:$0x0];
	_ =	sdelay $0x2  }
0xb8: {  	s31 =	sshll.u32 s1, $0xD;
	s1 =	sshrl.u32 s1, $0x2  }
0xb9: {  	s3 =	sand.u32 $0x4000, s31;
	s1 =	sadd.s32 s1, s30  }
0xba: {  	s0 =	sor.u32 s3, s0;
	s1 =	sshll.u32 s1, $0x11  }
0xbb: {  	s0 =	sor.u32 s1, s0  }
0xbc: {  	s0 =	sadd.s32 $0x8F2B, s0  }
0xbd: {  	[sflag:s0] =	ssyncadd.remote.s32 $0x1  }
0xbe: {  	_ =	sfence.sel $0xFFFF  }
0xbf: {  	[dreg:$0x0] =	wrdreg $0xFFFFFFFF;
	(pc) =	sbr.abs _section_cstart, $3  }
0xc0: {  	[dreg:$0x1] =	wrdreg $0xFFFFFFFF  }
0xc1: {  	_ =	task.clear_ibuf [dreg:s7], $0x2FFFF;
	_ =	strace $0x9FFFFFFF  }
0xc2: {  	(tm) =	ssettm $0x7FFFFFFF  }
0xc3: {  	_ =	shalt  }
tec
execute0_lowered:
.L_overlay_start_1:
0x0: {  	(tag) =	ssettag $0x1  }
0x1: {  	s0 =	srdreg.scid  }
0x2: {  	s11 =	sand.u32 $0x1, s0  }
0x3: {  	s9 =	rddreg [dreg:$0x0];
	s0 =	stileid.u32;
	s1 =	sshll.u32 s11, $0x4  }
0x4: {  	s2 =	rddreg [dreg:$0x1];
	s3 =	simm.s32 $0x0;
	s10 =	sor.u32 s0, s1  }
0x5: {  	[smem:$0x7FF] =	sst s3;
	s4 =	sshll.u32 s10, $0x7  }
0x6: {  	s1 =	rddreg [dreg:$0x2];
	s4 =	sadd.s32 s4, s9  }
0x7: {  	_ =	strace $0x80000047;
	s5 =	sadd.s32 $0x2C00, s4;
	s4 =	simm.s32 $0x2  }
0x8: {  	[tilespmem:s3], [sflag:$0x2] =	stream.linear.gather [hbm4b:s5+s3], $0x400, $0x38;
	[tilespmem:$0x4400] =	vst v63  }
0x9: {  	_ =	swait.ge [sflag:s4], $0x400  }
0xa: {  	s6 =	simm.s32 $0x80;
	[sflag:s4] =	ssyncset.done $0x0  }
0xb: {  	s7 =	simm.s32 $0x400;
	s8 =	simm.s32 $0x1;
	[sflag:s4] =	ssyncadd.s32 $0xFFFFFC00  }
0xc: {  	[tilespmem:s7], [sflag:$0x1] =	stream.indirect.gather [hbm4b:s2+s6], $0x80, s3, s6, $0xb8;
	[tilespmem:$0x4400] =	vst v63  }
0xd: {  	s12 =	smul.u32 $0x1400, s10;
	_ =	swait.ge [sflag:s8], $0x4000  }
0xe: {  	s13 =	sadd.s32 $0x3C00, s9;
	[sflag:s8] =	ssyncset.done $0x0  }
0xf: {  	s9 =	sadd.s32 s13, s12;
	[sflag:s8] =	ssyncadd.s32 $0xFFFFC000  }
0x10: {  	[hbm4b:s9+s3] =	stream.linear.scatter [tilespmem:s7], [sflag:$0x2], $0x4000, $0x38;
	[tilespmem:$0x4400] =	vst v63  }
0x11: {  	_ =	swait.ge [sflag:s4], $0x4000  }
0x12: {  	[sflag:s4] =	ssyncset.done $0x0  }
0x13: {  	s10 =	smul.u32 $0xA000, s10;
	[sflag:s4] =	ssyncadd.s32 $0xFFFFC000  }
0x14: {  	[tilespmem:s7], [sflag:$0x1] =	stream.indirect.gather [hbm4b:s2+s6], $0x80, s6, s6, $0xb8;
	[tilespmem:$0x4400] =	vst v63  }
0x15: {  	s10 =	sshrl.u32 s10, $0x3;
	_ =	swait.ge [sflag:s8], $0x4000  }
0x16: {  	s30 =	sadd.s32 s13, s10;
	[sflag:s8] =	ssyncset.done $0x0  }
0x17: {  	s31 =	ssub.s32 $0x2, s11;
	s10 =	sadd.s32 $0x800, s30;
	[sflag:s8] =	ssyncadd.s32 $0xFFFFC000  }
0x18: {  	[hbm4b:s10+s3] =	stream.linear.scatter [tilespmem:s7], [sflag:$0x2], $0x4000, $0x38;
	[tilespmem:$0x4400] =	vst v63  }
0x19: {  	s14 =	sshrl.u32 s31, $0x1;
	_ =	swait.ge [sflag:s4], $0x4000  }
0x1a: {  	s13 =	ssub.s32 s31, s14;
	[sflag:s4] =	ssyncset.done $0x0  }
0x1b: {  	s11 =	simm.s32 $0x100;
	s13 =	smax.u32 s13, $0x1;
	[sflag:s4] =	ssyncadd.s32 $0xFFFFC000  }
0x1c: {  	[tilespmem:s7], [sflag:$0x1] =	stream.indirect.gather [hbm4b:s2+s6], $0x80, s11, s6, $0xb8;
	[tilespmem:$0x4400] =	vst v63  }
0x1d: {  	p0 =	sne.s32 s13, $0x1;
	_ =	swait.ge [sflag:s8], $0x4000  }
.Ltmp0:
0x1e: {  	[sflag:s8] =	ssyncset.done $0x0;
	(pc) =	sbr.rel @!p0 .LBB2_2-.Ltmp0, $4  }
0x1f: {  	s12 =	sadd.s32 $0x1000, s30;
	[sflag:s8] =	ssyncadd.s32 $0xFFFFC000  }
0x20: {  	[hbm4b:s12+s3] =	stream.linear.scatter [tilespmem:s7], [sflag:$0x2], $0x2000, $0x38;
	[tilespmem:$0x4400] =	vst v63  }
0x21: {  	_ =	swait.ge [sflag:s4], $0x2000  }
0x22: {  	s13 =	sadd.s32 $0xFFFFFFFF, s13;
	[sflag:s4] =	ssyncset.done $0x0  }
.LBB2_1:
0x23: {  	p0 =	sne.s32 s13, $0x1;
	s13 =	sadd.s32 $0xFFFFFFFF, s13;
	[sflag:s4] =	ssyncadd.s32 $0xFFFFE000  }
0x24: {  	[tilespmem:s3], [sflag:$0x2] =	stream.linear.gather [hbm4b:s5+s3], $0x400, $0x38;
	[tilespmem:$0x4400] =	vst v63  }
0x25: {  	_ =	swait.ge [sflag:s4], $0x400  }
0x26: {  	[sflag:s4] =	ssyncset.done $0x0  }
0x27: {  	[sflag:s4] =	ssyncadd.s32 $0xFFFFFC00  }
0x28: {  	[tilespmem:s7], [sflag:$0x1] =	stream.indirect.gather [hbm4b:s2+s6], $0x80, s3, s6, $0xb8;
	[tilespmem:$0x4400] =	vst v63  }
0x29: {  	_ =	swait.ge [sflag:s8], $0x4000  }
0x2a: {  	[sflag:s8] =	ssyncset.done $0x0  }
0x2b: {  	[sflag:s8] =	ssyncadd.s32 $0xFFFFC000  }
0x2c: {  	[hbm4b:s9+s3] =	stream.linear.scatter [tilespmem:s7], [sflag:$0x2], $0x4000, $0x38;
	[tilespmem:$0x4400] =	vst v63  }
0x2d: {  	_ =	swait.ge [sflag:s4], $0x4000  }
0x2e: {  	[sflag:s4] =	ssyncset.done $0x0  }
0x2f: {  	[sflag:s4] =	ssyncadd.s32 $0xFFFFC000  }
0x30: {  	[tilespmem:s7], [sflag:$0x1] =	stream.indirect.gather [hbm4b:s2+s6], $0x80, s6, s6, $0xb8;
	[tilespmem:$0x4400] =	vst v63  }
0x31: {  	_ =	swait.ge [sflag:s8], $0x4000  }
0x32: {  	[sflag:s8] =	ssyncset.done $0x0  }
0x33: {  	[sflag:s8] =	ssyncadd.s32 $0xFFFFC000  }
0x34: {  	[hbm4b:s10+s3] =	stream.linear.scatter [tilespmem:s7], [sflag:$0x2], $0x4000, $0x38;
	[tilespmem:$0x4400] =	vst v63  }
0x35: {  	_ =	swait.ge [sflag:s4], $0x4000  }
0x36: {  	[sflag:s4] =	ssyncset.done $0x0  }
0x37: {  	[sflag:s4] =	ssyncadd.s32 $0xFFFFC000  }
0x38: {  	[tilespmem:s7], [sflag:$0x1] =	stream.indirect.gather [hbm4b:s2+s6], $0x80, s11, s6, $0xb8;
	[tilespmem:$0x4400] =	vst v63  }
0x39: {  	_ =	swait.ge [sflag:s8], $0x4000  }
.Ltmp1:
0x3a: {  	[sflag:s8] =	ssyncset.done $0x0;
	(pc) =	sbr.rel @p0 .LBB2_1-.Ltmp1, $4  }
0x3b: {  	[sflag:s8] =	ssyncadd.s32 $0xFFFFC000  }
0x3c: {  	[hbm4b:s12+s3] =	stream.linear.scatter [tilespmem:s7], [sflag:$0x2], $0x2000, $0x38;
	[tilespmem:$0x4400] =	vst v63  }
0x3d: {  	_ =	swait.ge [sflag:s4], $0x2000  }
0x3e: {  	[sflag:s4] =	ssyncset.done $0x0  }
.LBB2_2:
0x3f: {  	[sflag:s4] =	ssyncadd.s32 $0xFFFFE000  }
0x40: {  	_ =	sfence.sel $0x180000  }
0x41: {  	[bflag:$0x0] =	sbarrier.arrive $0xFFFF  }
0x42: {  	p0 =	sne.s32 s0, $0x0;
	_ =	strace $0x90000047  }
0x43: {  	s0 =	sadd.s32 @!p0 $0x100000, s1;
	[bflag:$0x2] =	sbarrier.arrive $0xFFFF  }
0x44: {  	[sflag:s0] =	ssyncadd.tile.s32 @!p0 $0x1;
	_ =	shalt  }
.Lfunc_end2:
_tile_overlayer_lowered:
.L_overlay_start_2:
0x45: {  	(tag) =	ssettag $0x2  }
0x46: {  	s0 =	rddreg [dreg:$0x0];
	s2 =	stileid.u32  }
0x47: {  	s1 =	rddreg [dreg:$0x1];
	p0 =	sne.s32 s2, $0x0  }
0x48: {  	s3 =	rddreg [dreg:$0x2];
	[bflag:$0x3] =	sbarrier.arrive $0xFFFF;
	s2 =	simm.s32 @!p0 $0x1C02  }
0x49: {  	[timem:s3], [sflag:s2] =	dma.local @!p0 [hbm:s0], s1  }
0x4a: {  	s0 =	simm.s32 @!p0 $0x2  }
0x4b: {  	_ =	swait.ge @!p0 [sflag:s0], s1  }
0x4c: {  	s1 =	ssub.s32 @!p0 $0x0, s1;
	[sflag:s0] =	ssyncset.done @!p0 $0x0  }
0x4d: {  	[sflag:s0] =	ssyncadd.s32 @!p0 s1  }
0x4e: {  	[bflag:$0x3] =	sbarrier.arrive $0xFFFF  }
0x4f: {  	_ =	shalt  }

// kernel: kernel.8.cloned.1.call-start
scs
__scs_entry_jumppad:
0x0: {  	(pc) =	sbr.rel $0x88, $3  }
0x1: {  	(tag) =	ssettag $0x0;
	lr =	simm.s32 $0x1  }
0x2: {  	[smem:$0x3F93] =	sst lr;
	_ =	strace $0xD0000000  }
0x3: {  	_ = 	snop  }
0x4: {  	_ = 	snop  }
0x5: {  	_ = 	snop  }
0x6: {  	_ = 	snop  }
0x7: {  	_ = 	snop  }
__scs_overlays_trampoline_lowered:
0x8: {  	[smem:$0x3FA2] =	sst s0  }
0x9: {  	[smem:$0x3FA3] =	sst s1  }
0xa: {  	[smem:$0x3FA4] =	sst s2  }
0xb: {  	[smem:$0x3FA5] =	sst s3  }
0xc: {  	[smem:$0x3FA6] =	sst s4  }
0xd: {  	[smem:$0x3FA7] =	sst s5  }
0xe: {  	[smem:$0x3FA8] =	sst s6  }
0xf: {  	[smem:$0x3FA9] =	sst s7  }
0x10: {  	[smem:$0x3FAA] =	sst s8  }
0x11: {  	[smem:$0x3FAB] =	sst s9;
	s0 =	simm.s32 @!p0 $0x0  }
0x12: {  	s1 =	sld [smem:$0x3F91];
	s0 =	simm.s32 @p0 $0x1  }
0x13: {  	[smem:$0x3FAC] =	sst s0;
	s0 =	simm.s32 @!p1 $0x0  }
0x14: {  	s2 =	sld [smem:$0x3F90];
	s0 =	simm.s32 @p1 $0x1  }
0x15: {  	[smem:$0x3FAD] =	sst s0;
	s0 =	simm.s32 @!p2 $0x0  }
0x16: {  	s3 =	sld [smem:$0x3FDB];
	s0 =	simm.s32 @p2 $0x1  }
0x17: {  	s4 =	simm.s32 $0x1BF5;
	[smem:$0x3FAF] =	sst s0  }
0x18: {  	s0 =	sld [smem:$0x3F92];
	_ =	swait.ge [sflag:s4], $0x0  }
0x19: {  	s7 =	sld [smem:$0x3F93]  }
0x1a: {  	s8 =	sadd.s32 $0xFFFFE003, lr  }
0x1b: {  	s9 =	sadd.s32 $0xFFFFFEF7, lr;
	s5 =	simm.s32 $0xFFFFFFFF;
	p2 =	slt.u32 s8, $0xFFFFF086  }
0x1c: {  	p1 =	slt.u32 s9, $0xF7A;
	s5 =	simm.s32 @!p2 $0x0  }
0x1d: {  	s5 =	simm.s32 @p1 $0x1;
	p0 =	seq.s32 s7, s2  }
0x1e: {  	s7 =	smul.u32 @!p0 $0xF7A, s2;
	p2 =	seq.s32 @!p0 s5, $0x0  }
0x1f: {  	s9 =	smul.u32 $0xF7A, s1;
	s8 =	simm.s32 @!p0 $0x1BF5;
	p2 =	por !p2, p0  }
0x20: {  	[sflag:s8] =	ssyncset.s32 @!p0 $0xFFFFF086;
	s6 =	sadd.s32 @!p0 s3, s7;
	s7 =	simm.s32 @!p0 $0x108  }
0x21: {  	s3 =	sadd.s32 s3, s9;
	s6 =	sadd.s32 @!p0 $0x88, s6;
	s7 =	simm.s32 @p2 $0x1082  }
0x22: {  	[simem:s7], [sflag:s8] =	dma.local @!p0 [hbm:s6], $0xF7A  }
0x23: {  	s9 =	sor.u32 $0xD0000000, s2;
	s6 =	simm.s32 $0x108;
	_ =	swait.ge @!p0 [sflag:s8], $0x0  }
0x24: {  	s3 =	sadd.s32 $0x88, s3;
	s6 =	simm.s32 @!p1 $0x1082;
	[sflag:s4] =	ssyncset.s32 $0xFFFFF086  }
0x25: {  	[simem:s6], [sflag:s4] =	dma.local [hbm:s3], $0xF7A  }
0x26: {  	[smem:$0x3F93] =	sst s1;
	(tag) =	ssettag s2;
	_ =	strace s9  }
0x27: {  	s1 =	sld [smem:$0x3FA3]  }
0x28: {  	s2 =	sld [smem:$0x3FA4]  }
0x29: {  	s4 =	sld [smem:$0x3FA6]  }
0x2a: {  	p0 =	seq.s32 s5, $0x0;
	s5 =	sld [smem:$0x3FA7]  }
0x2b: {  	s6 =	sld [smem:$0x3FA8]  }
0x2c: {  	s7 =	sld [smem:$0x3FA9]  }
0x2d: {  	s3 =	simm.s32 $0x108;
	s8 =	sld [smem:$0x3FAA]  }
0x2e: {  	s3 =	simm.s32 @!p0 $0x1082;
	s9 =	sld [smem:$0x3FAB]  }
0x2f: {  	lr =	sadd.s32 s0, s3;
	s0 =	sld [smem:$0x3FA2]  }
0x30: {  	s3 =	sld [smem:$0x3FA5]  }
0x31: {  	[smem:$0x3FAE] =	sst s10  }
0x32: {  	s10 =	sld [smem:$0x3FAC];
	_ =	sdelay $0x3  }
0x33: {  	p0 =	seq.s32 s10, $0x1;
	s10 =	sld [smem:$0x3FAE];
	_ =	sdelay $0x3  }
0x34: {  	[smem:$0x3FAE] =	sst s10  }
0x35: {  	s10 =	sld [smem:$0x3FAD];
	_ =	sdelay $0x3  }
0x36: {  	p1 =	seq.s32 s10, $0x1;
	s10 =	sld [smem:$0x3FAE];
	_ =	sdelay $0x3  }
0x37: {  	[smem:$0x3FAE] =	sst s10  }
0x38: {  	s10 =	sld [smem:$0x3FAF]  }
0x39: {  	_ = 	snop;
	(pc) =	sbr.ind lr, $3  }
0x3a: {  	_ = 	snop  }
0x3b: {  	_ = 	snop  }
0x3c: {  	p2 =	seq.s32 s10, $0x1;
	s10 =	sld [smem:$0x3FAE]  }
0x3d: {  	_ =	shalt  }
0x3e: {  	_ =	shalt  }
0x3f: {  	_ =	shalt  }
0x40: {  	_ =	shalt  }
0x41: {  	_ =	shalt  }
0x42: {  	_ =	shalt  }
0x43: {  	_ =	shalt  }
0x44: {  	_ =	shalt  }
0x45: {  	_ =	shalt  }
0x46: {  	_ =	shalt  }
0x47: {  	_ =	shalt  }
0x48: {  	_ =	shalt  }
0x49: {  	_ =	shalt  }
0x4a: {  	_ =	shalt  }
0x4b: {  	_ =	shalt  }
0x4c: {  	_ =	shalt  }
0x4d: {  	_ =	shalt  }
0x4e: {  	_ =	shalt  }
0x4f: {  	_ =	shalt  }
0x50: {  	_ =	shalt  }
0x51: {  	_ =	shalt  }
0x52: {  	_ =	shalt  }
0x53: {  	_ =	shalt  }
0x54: {  	_ =	shalt  }
0x55: {  	_ =	shalt  }
0x56: {  	_ =	shalt  }
0x57: {  	_ =	shalt  }
0x58: {  	_ =	shalt  }
0x59: {  	_ =	shalt  }
0x5a: {  	_ =	shalt  }
0x5b: {  	_ =	shalt  }
0x5c: {  	_ =	shalt  }
0x5d: {  	_ =	shalt  }
0x5e: {  	_ =	shalt  }
0x5f: {  	_ =	shalt  }
0x60: {  	_ =	shalt  }
0x61: {  	_ =	shalt  }
0x62: {  	_ =	shalt  }
0x63: {  	_ =	shalt  }
0x64: {  	_ =	shalt  }
0x65: {  	_ =	shalt  }
0x66: {  	_ =	shalt  }
0x67: {  	_ =	shalt  }
0x68: {  	_ =	shalt  }
0x69: {  	_ =	shalt  }
0x6a: {  	_ =	shalt  }
0x6b: {  	_ =	shalt  }
0x6c: {  	_ =	shalt  }
0x6d: {  	_ =	shalt  }
0x6e: {  	_ =	shalt  }
0x6f: {  	_ =	shalt  }
0x70: {  	_ =	shalt  }
0x71: {  	_ =	shalt  }
0x72: {  	_ =	shalt  }
0x73: {  	_ =	shalt  }
0x74: {  	_ =	shalt  }
0x75: {  	_ =	shalt  }
0x76: {  	_ =	shalt  }
0x77: {  	_ =	shalt  }
0x78: {  	_ =	shalt  }
0x79: {  	_ =	shalt  }
0x7a: {  	_ =	shalt  }
0x7b: {  	_ =	shalt  }
0x7c: {  	_ =	shalt  }
0x7d: {  	_ =	shalt  }
0x7e: {  	_ =	shalt  }
0x7f: {  	_ =	shalt  }
0x80: {  	_ =	shalt  }
0x81: {  	_ =	shalt  }
0x82: {  	_ =	shalt  }
0x83: {  	_ =	shalt  }
0x84: {  	_ =	shalt  }
0x85: {  	_ =	shalt  }
0x86: {  	_ =	shalt  }
0x87: {  	_ =	shalt  }
.Lfunc_end0:
.L_simem_size_0:
called_computation.2_lowered:
.L_overlay_start_0:
0x88: {  	s2 =	sld [smem:$0x3FD9]  }
0x89: {  	s3 =	sld [smem:$0x3FFE];
	_ =	sdelay $0x1  }
0x8a: {  	s1 =	srdreg.scid  }
0x8b: {  	s0 =	sand.u32 $0x1, s1  }
0x8c: {  	s16 =	sshll.u32 s0, $0xA;
	s2 =	sadd.s32 s3, s2  }
0x8d: {  	s2 =	sadd.s32 s2, s16  }
0x8e: {  	[smem:$0x3FBA] =	sst s2  }
0x8f: {  	_ = 	snop  }
0x90: {  	(tm) =	ssettm $0x1  }
0x91: {  	s17 =	sld [smem:$0x3FFB];
	_ =	sdelay $0x3  }
0x92: {  	_ =	strace s17  }
0x93: {  	s2 =	sld [smem:$0x3FFC];
	_ =	sdelay $0x3  }
0x94: {  	_ =	strace s2  }
0x95: {  	s2 =	sld [smem:$0x3FFD];
	_ =	sdelay $0x3  }
0x96: {  	_ =	strace s2  }
0x97: {  	_ =	strace $0x8FFFFFFF  }
0x98: {  	s18 =	sld [smem:$0x3FDB];
	_ =	sdelay $0x1  }
0x99: {  	s19 =	simm.s32 $_scs_section_size  }
0x9a: {  	s4 =	simm.s32 $_size__tile_overlayer_lowered;
	s5 =	simm.s32 $_tile_overlayer_lowered  }
0x9b: {  	s22 =	simm.s32 $0x1BFF;
	s21 =	sshll.u32 s5, $0x1;
	s2 =	sadd.s32 s19, s18  }
0x9c: {  	s6 =	simm.s32 $0x0;
	s20 =	sshll.u32 s4, $0x1;
	s4 =	sadd.s32 s21, s2  }
0x9d: {  	[timem:s6], [sflag:s22] =	dma.local [hbm:s4], s20  }
0x9e: {  	_ =	swait.ge [sflag:s22], s20  }
0x9f: {  	s3 =	ssub.s32 $0x0, s20;
	[sflag:s22] =	ssyncset.done $0x0  }
0xa0: {  	[sflag:s22] =	ssyncadd.s32 s3;
	_ =	sdelay $0x1  }
0xa1: {  	s23 =	simm.s32 $0x1B8B  }
0xa2: {  	_ =	swait.ge [sflag:s23], $0x1  }
0xa3: {  	[sflag:s23] =	ssyncset.done $0x0  }
0xa4: {  	s25 =	simm.s32 $0x1B8E;
	s24 =	sld [smem:$0x3FFE];
	[sflag:s23] =	ssyncadd.s32 $0xFFFFFFFF  }
0xa5: {  	s26 =	simm.s32 $execute0_lowered;
	[smem:$0x3FD2] =	sst s25  }
0xa6: {  	s4 =	sshll.u32 s26, $0x1;
	_ =	strace $0x80000049;
	[dreg:$0x1] =	wrdreg $0xFFFFFFFF  }
0xa7: {  	s28 =	simm.s32 $_size_execute0_lowered;
	s2 =	sadd.s32 s2, s4;
	[dreg:$0x0] =	wrdreg $0x0  }
0xa8: {  	s4 =	sshll.u32 s28, $0x1;
	[dreg:$0x2] =	wrdreg s2  }
0xa9: {  	[dreg:$0x3] =	wrdreg s4  }
0xaa: {  	[dreg:$0x4] =	wrdreg $0xC0  }
0xab: {  	_ =	task [dreg:s6], $0x5FFFF  }
0xac: {  	[dreg:$0x1] =	wrdreg $0xFFFFFFFF  }
0xad: {  	[dreg:$0x0] =	wrdreg $0x60  }
0xae: {  	[dreg:$0x2] =	wrdreg s24  }
0xaf: {  	[dreg:$0x3] =	wrdreg $0x9  }
0xb0: {  	_ =	task.clear_ibuf [dreg:s6], $0x4FFFF;
	_ =	strace $0x90000049  }
0xb1: {  	s29 =	simm.s32 $0x9;
	_ =	strace $0x8000004B  }
0xb2: {  	_ =	swait.ge [sflag:s29], $0x1  }
0xb3: {  	[sflag:s29] =	ssyncadd.s32 $0xFFFFFFFF  }
0xb4: {  	_ =	strace $0x9000004B  }
0xb5: {  	_ =	sfence  }
0xb6: {  	s30 =	sld [smem:$0x0];
	_ =	sdelay $0x2  }
0xb7: {  	s31 =	sshll.u32 s1, $0xD;
	s1 =	sshrl.u32 s1, $0x2  }
0xb8: {  	s3 =	sand.u32 $0x4000, s31;
	s1 =	sadd.s32 s1, s30  }
0xb9: {  	s0 =	sor.u32 s3, s0;
	s1 =	sshll.u32 s1, $0x11  }
0xba: {  	s0 =	sor.u32 s1, s0  }
0xbb: {  	s0 =	sadd.s32 $0x8F2B, s0  }
0xbc: {  	[sflag:s0] =	ssyncadd.remote.s32 $0x1  }
0xbd: {  	_ =	sfence.sel $0xFFFF  }
0xbe: {  	[dreg:$0x0] =	wrdreg $0xFFFFFFFF;
	(pc) =	sbr.abs _section_cstart, $3  }
0xbf: {  	[dreg:$0x1] =	wrdreg $0xFFFFFFFF  }
0xc0: {  	_ =	task.clear_ibuf [dreg:s6], $0x2FFFF;
	_ =	strace $0x9FFFFFFF  }
0xc1: {  	(tm) =	ssettm $0x7FFFFFFF  }
tec
execute0_lowered:
.L_overlay_start_1:
0x0: {  	(tag) =	ssettag $0x1  }
0x1: {  	s0 =	srdreg.scid  }
0x2: {  	s9 =	rddreg [dreg:$0x0];
	s6 =	sand.u32 $0x1, s0  }
0x3: {  	s2 =	simm.s32 $0x0;
	s0 =	stileid.u32;
	s1 =	sshll.u32 s6, $0x4  }
0x4: {  	s7 =	simm.s32 $0x80;
	s8 =	simm.s32 $0x1;
	s10 =	sor.u32 s0, s1  }
0x5: {  	[smem:$0x7FF] =	sst s2;
	s5 =	sadd.s32 $0x2BE00, s9;
	s3 =	sshll.u32 s10, $0x4  }
0x6: {  	s11 =	ssub.s32 $0x2, s6;
	s1 =	rddreg [dreg:$0x1];
	s3 =	sadd.s32 s3, s9  }
0x7: {  	_ =	strace $0x8000004A;
	s4 =	sadd.s32 $0x2BC00, s3;
	s3 =	simm.s32 $0x2  }
0x8: {  	[tilespmem:s2], [sflag:$0x2] =	stream.linear.gather [hbm4b:s4+s2], $0x80, $0x38;
	[tilespmem:$0x1080] =	vst v63  }
0x9: {  	s6 =	simm.s32 $0x20;
	s12 =	sshrl.u32 s11, $0x1;
	_ =	swait.ge [sflag:s3], $0x80  }
0xa: {  	s10 =	sshll.u32 s10, $0x9;
	s31 =	ssub.s32 s11, s12;
	[sflag:s3] =	ssyncset.done $0x0  }
0xb: {  	s9 =	sadd.s32 s10, s9;
	s10 =	smax.u32 s31, $0x1;
	[sflag:s3] =	ssyncadd.s32 $0xFFFFFF80  }
0xc: {  	[tilespmem:s7], [sflag:$0x1] =	stream.indirect.gather [hbm4b:s5+s6], $0x80, s2, s6, $0xb8;
	[tilespmem:$0x1080] =	vst v63  }
0xd: {  	p0 =	sne.s32 s10, $0x1;
	_ =	swait.ge [sflag:s8], $0x1000  }
.Ltmp0:
0xe: {  	[sflag:s8] =	ssyncset.done $0x0;
	(pc) =	sbr.rel @!p0 .LBB2_2-.Ltmp0, $4  }
0xf: {  	s9 =	sadd.s32 $0x2C00, s9;
	[sflag:s8] =	ssyncadd.s32 $0xFFFFF000  }
0x10: {  	[hbm4b:s9+s2] =	stream.linear.scatter [tilespmem:s7], [sflag:$0x2], $0x1000, $0x38;
	[tilespmem:$0x1080] =	vst v63  }
0x11: {  	_ =	swait.ge [sflag:s3], $0x1000  }
0x12: {  	s10 =	sadd.s32 $0xFFFFFFFF, s10;
	[sflag:s3] =	ssyncset.done $0x0  }
.LBB2_1:
0x13: {  	p0 =	sne.s32 s10, $0x1;
	s10 =	sadd.s32 $0xFFFFFFFF, s10;
	[sflag:s3] =	ssyncadd.s32 $0xFFFFF000  }
0x14: {  	[tilespmem:s2], [sflag:$0x2] =	stream.linear.gather [hbm4b:s4+s2], $0x80, $0x38;
	[tilespmem:$0x1080] =	vst v63  }
0x15: {  	_ =	swait.ge [sflag:s3], $0x80  }
0x16: {  	[sflag:s3] =	ssyncset.done $0x0  }
0x17: {  	[sflag:s3] =	ssyncadd.s32 $0xFFFFFF80  }
0x18: {  	[tilespmem:s7], [sflag:$0x1] =	stream.indirect.gather [hbm4b:s5+s6], $0x80, s2, s6, $0xb8;
	[tilespmem:$0x1080] =	vst v63  }
0x19: {  	_ =	swait.ge [sflag:s8], $0x1000  }
.Ltmp1:
0x1a: {  	[sflag:s8] =	ssyncset.done $0x0;
	(pc) =	sbr.rel @p0 .LBB2_1-.Ltmp1, $4  }
0x1b: {  	[sflag:s8] =	ssyncadd.s32 $0xFFFFF000  }
0x1c: {  	[hbm4b:s9+s2] =	stream.linear.scatter [tilespmem:s7], [sflag:$0x2], $0x1000, $0x38;
	[tilespmem:$0x1080] =	vst v63  }
0x1d: {  	_ =	swait.ge [sflag:s3], $0x1000  }
0x1e: {  	[sflag:s3] =	ssyncset.done $0x0  }
.LBB2_2:
0x1f: {  	[sflag:s3] =	ssyncadd.s32 $0xFFFFF000  }
0x20: {  	_ =	sfence.sel $0x180000  }
0x21: {  	[bflag:$0x0] =	sbarrier.arrive $0xFFFF  }
0x22: {  	p0 =	sne.s32 s0, $0x0;
	_ =	strace $0x9000004A  }
0x23: {  	s0 =	sadd.s32 @!p0 $0x100000, s1;
	[bflag:$0x2] =	sbarrier.arrive $0xFFFF  }
0x24: {  	[sflag:s0] =	ssyncadd.tile.s32 @!p0 $0x1;
	_ =	shalt  }
.Lfunc_end2:
_tile_overlayer_lowered:
.L_overlay_start_2:
0x25: {  	(tag) =	ssettag $0x2  }
0x26: {  	s0 =	rddreg [dreg:$0x0];
	s2 =	stileid.u32  }
0x27: {  	s1 =	rddreg [dreg:$0x1];
	p0 =	sne.s32 s2, $0x0  }
0x28: {  	s3 =	rddreg [dreg:$0x2];
	[bflag:$0x3] =	sbarrier.arrive $0xFFFF;
	s2 =	simm.s32 @!p0 $0x1C02  }
0x29: {  	[timem:s3], [sflag:s2] =	dma.local @!p0 [hbm:s0], s1  }
0x2a: {  	s0 =	simm.s32 @!p0 $0x2  }
0x2b: {  	_ =	swait.ge @!p0 [sflag:s0], s1  }
0x2c: {  	s1 =	ssub.s32 @!p0 $0x0, s1;
	[sflag:s0] =	ssyncset.done @!p0 $0x0  }
0x2d: {  	[sflag:s0] =	ssyncadd.s32 @!p0 s1  }
0x2e: {  	[bflag:$0x3] =	sbarrier.arrive $0xFFFF  }
0x2f: {  	_ =	shalt  }

</sc_bundles>
